<compile_context>
chip_gen: v7x
topology: tpu7x:2x2x1
jax: 0.10.2.dev20260603
libtpu: 0.0.44.dev20260713+nightly
codegen_flags: <defaults>
</compile_context>

<pallas_src>
import functools

import jax
import jax.numpy as jnp
from jax import lax
from jax.experimental import pallas as pl
from jax.experimental.pallas import tpu as pltpu
from jax.experimental.pallas import tpu_sc as plsc

N = 10000
D = 128
E = 320000
NC, NS = 2, 16
NW = NC * NS
EPT = E // NW
CH = 80
NCHUNK = EPT // CH
NPAD = 10240
OPT = NPAD // NS

_mesh = plsc.VectorSubcoreMesh(core_axis_name="c", subcore_axis_name="s")


@functools.partial(
    pl.kernel,
    out_type=[
        jax.ShapeDtypeStruct((NC, NPAD, D), jnp.float32),
        jax.ShapeDtypeStruct((NC, NPAD), jnp.float32),
    ],
    mesh=_mesh,
    scratch_types=[
        pltpu.VMEM((NCHUNK, CH), jnp.int32),
        pltpu.VMEM((NCHUNK, CH), jnp.int32),
        pltpu.VMEM((CH, D), jnp.float32),
        pltpu.VMEM((CH,), jnp.float32),
        pltpu.VMEM((OPT,), jnp.float32),
        pltpu.VMEM_SHARED((NPAD, D), jnp.float32),
        pltpu.VMEM_SHARED((NPAD,), jnp.float32),
    ],
)
def _phase1(x_hbm, col_hbm, row_hbm, xsum_out, deg_out,
            colv, rowv, rows, onesv, buf1, xsum_sh, deg_sh):
    c = lax.axis_index("c")
    s = lax.axis_index("s")
    wid = c * NS + s

    zero16 = jnp.zeros((16,), jnp.float32)
    one16 = jnp.ones((16,), jnp.float32)

    def _zrow(i, _):
        for j in range(D // 16):
            rows[i, pl.ds(j * 16, 16)] = zero16
        return 0
    lax.fori_loop(0, CH, _zrow, 0)

    def _z1(i, _):
        buf1[pl.ds(i * 16, 16)] = zero16
        return 0
    lax.fori_loop(0, OPT // 16, _z1, 0)

    def _o1(i, _):
        onesv[pl.ds(i * 16, 16)] = one16
        return 0
    lax.fori_loop(0, CH // 16, _o1, 0)

    for k in range(OPT // CH):
        pltpu.sync_copy(rows, xsum_sh.at[pl.ds(s * OPT + k * CH, CH)])
    pltpu.sync_copy(buf1, deg_sh.at[pl.ds(s * OPT, OPT)])

    pltpu.sync_copy(col_hbm.at[wid], colv)
    pltpu.sync_copy(row_hbm.at[wid], rowv)
    plsc.subcore_barrier()

    def _body(i, _):
        pltpu.sync_copy(x_hbm.at[colv.at[i]], rows)
        pltpu.sync_copy(rows, xsum_sh.at[rowv.at[i]], add=True)
        pltpu.sync_copy(onesv, deg_sh.at[rowv.at[i]], add=True)
        return 0
    lax.fori_loop(0, NCHUNK, _body, 0)

    plsc.subcore_barrier()

    for k in range(OPT // CH):
        off = s * OPT + k * CH
        pltpu.sync_copy(xsum_sh.at[pl.ds(off, CH)], rows)
        pltpu.sync_copy(rows, xsum_out.at[c, pl.ds(off, CH)])
    pltpu.sync_copy(deg_sh.at[pl.ds(s * OPT, OPT)], buf1)
    pltpu.sync_copy(buf1, deg_out.at[c, pl.ds(s * OPT, OPT)])


def _phase2_body(x_ref, xs0_ref, xs1_ref, degp_ref, w_ref,
                 t_ref, s13_ref, recip_ref):
    x = x_ref[...]
    xsum = xs0_ref[...] + xs1_ref[...]
    deg = degp_ref[0, :] + degp_ref[1, :]
    recip = 1.0 / jnp.maximum(deg, 1.0)
    w1 = w_ref[0:1, :]
    w2 = w_ref[1:2, :]
    w3 = w_ref[2:3, :]
    xmean = xsum * recip[:, None]
    t_ref[0, :] = jnp.sum(jnp.abs(x - xmean) * w2, axis=1)
    s13_ref[0, :] = (recip * jnp.sum(xsum * x * w1, axis=1)
                     + jnp.sum(x * w3, axis=1))
    recip_ref[0, :] = recip


_phase2 = pl.pallas_call(
    _phase2_body,
    out_shape=[jax.ShapeDtypeStruct((1, N), jnp.float32)] * 3,
)


@functools.partial(
    pl.kernel,
    out_type=[jax.ShapeDtypeStruct((NW * NPAD,), jnp.float32)],
    mesh=_mesh,
    scratch_types=[
        pltpu.VMEM((NCHUNK, CH), jnp.int32),
        pltpu.VMEM((NCHUNK, CH), jnp.int32),
        pltpu.VMEM((N,), jnp.float32),
        pltpu.VMEM((NPAD,), jnp.float32),
    ],
    compiler_params=pltpu.CompilerParams(needs_layout_passes=False),
)
def _phase3(t_hbm, col_hbm, row_hbm, usum_out, colv, rowv, tv, usumv):
    c = lax.axis_index("c")
    s = lax.axis_index("s")
    wid = c * NS + s

    zero16 = jnp.zeros((16,), jnp.float32)

    def _z1(i, _):
        usumv[pl.ds(i * 16, 16)] = zero16
        return 0
    lax.fori_loop(0, NPAD // 16, _z1, 0)

    pltpu.sync_copy(col_hbm.at[wid], colv)
    pltpu.sync_copy(row_hbm.at[wid], rowv)
    pltpu.sync_copy(t_hbm, tv)

    def _body(i, _):
        for j in range(CH // 16):
            c16 = colv[i, pl.ds(j * 16, 16)]
            r16 = rowv[i, pl.ds(j * 16, 16)]
            t16 = plsc.load_gather(tv, [c16])
            plsc.addupdate_scatter(usumv, [r16], t16)
        return 0
    lax.fori_loop(0, NCHUNK, _body, 0)

    pltpu.sync_copy(usumv, usum_out.at[pl.ds(wid * NPAD, NPAD)])


def _phase4_body(s13_ref, up_ref, recip_ref, out_ref):
    u = jnp.sum(up_ref[...], axis=0)
    out_ref[0, :] = jax.nn.sigmoid(s13_ref[0, :] + u * recip_ref[0, :])


_phase4 = pl.pallas_call(
    _phase4_body,
    out_shape=jax.ShapeDtypeStruct((1, N), jnp.float32),
)


def kernel(x, adj, W):
    row = adj[0]
    col = adj[1]
    col3 = col.reshape(NW, NCHUNK, CH)
    row3 = row.reshape(NW, NCHUNK, CH)
    wr = W.reshape(3, D)

    xsum_p, deg_p = _phase1(x, col3, row3)
    xs0 = xsum_p[0, :N]
    xs1 = xsum_p[1, :N]
    degp = deg_p[:, :N]

    t2, s13, recip = _phase2(x, xs0, xs1, degp, wr)

    (usum_p,) = _phase3(t2.reshape(N), col3, row3)

    score = _phase4(s13, usum_p.reshape(NW, NPAD)[:, :N], recip)
    return score.reshape(N, 1)

# --- scband reference (transcript-rebuilt; emitter-appended) ---
"""Pipeline reference for scband-weight-score-layer-24283745091812 (READ-ONLY COPY).

The authoritative reference and input builder live on the scoring server;
editing this copy changes nothing except your own understanding.
"""

import jax, jax.numpy as jnp
import numpy as np

N = 10000
E = 320000
D = 128


def _spmm_mean(adj, vals, n):
    # adj: [2, E] with row=adj[0] (dst), col=adj[1] (src)
    row = adj[0]
    col = adj[1]
    gathered = jnp.take(vals, col, axis=0)
    summed = jax.ops.segment_sum(gathered, row, num_segments=n)
    deg = jax.ops.segment_sum(jnp.ones((adj.shape[1],), dtype=vals.dtype), row, num_segments=n)
    return summed / jnp.clip(deg, 1.0, None)[:, None]


def setup_inputs(seed: int = 0) -> dict:
    key = jax.random.key(seed)
    k1, k2, k3 = jax.random.split(key, 3)
    x = jax.random.normal(k1, (N, D), dtype=jnp.float32)
    adj = jax.random.randint(k2, (2, E), 0, N, dtype=jnp.int32)
    # nn.Linear(embedding_size * 3, 1, bias=False): weight shape [1, 3*D]
    W = jax.random.normal(k3, (1, 3 * D), dtype=jnp.float32) * (1.0 / np.sqrt(3 * D))
    return {"x": x, "adj": adj, "W": W}


def reference(x, adj, W):
    n = x.shape[0]
    x_mean = _spmm_mean(adj, x, n)
    x_std = _spmm_mean(adj, jnp.abs(x - x_mean), n)
    feat = jnp.concatenate([x_mean * x, x_std, x], axis=-1)
    score = jax.nn.sigmoid(feat @ W.T)
    return score

if __name__ == "__main__":
    import jax
    _d = setup_inputs()
    print(jax.jit(kernel)(*tuple(_d.values())))

</pallas_src>

<mosaic_0001>
#map = affine_map<(d0, d1) -> (0)>
#map1 = affine_map<(d0, d1) -> (0, 0, 0)>
module attributes {stable_mosaic.version = 14 : i64} {
  func.func @_phase3(%arg0: i32, %arg1: i32, %arg2: memref<10000xf32, #tpu.memory_space<hbm>>, %arg3: memref<32x125x80xi32, #tpu.memory_space<hbm>>, %arg4: memref<32x125x80xi32, #tpu.memory_space<hbm>>, %arg5: memref<327680xf32, #tpu.memory_space<hbm>>, %arg6: memref<125x80xi32, #tpu.memory_space<vmem>>, %arg7: memref<125x80xi32, #tpu.memory_space<vmem>>, %arg8: memref<10000xf32, #tpu.memory_space<vmem>>, %arg9: memref<10240xf32, #tpu.memory_space<vmem>>) attributes {dimension_semantics = [#tpu.dimension_semantics<core_parallel>, #tpu.dimension_semantics<subcore_parallel>], iteration_bounds = array<i64: 2, 16>, scalar_prefetch = 0 : i64, scratch_operands = 4 : i64, tpu.core_type = #tpu.core_type<sc_vector_subcore>, window_params = [{transform_indices = #map}, {transform_indices = #map1}, {transform_indices = #map1}, {transform_indices = #map}]} {
    %mul3A = arith.constant 16 : i32
    %mul3A_0 = arith.muli %arg0, %mul3A : i32
    %add3A = arith.addi %mul3A_0, %arg1 : i32
    %broadcast_in_dim3A = arith.constant 0.000000e+00 : f32
    %broadcast_in_dim3A_1 = vector.broadcast %broadcast_in_dim3A : f32 to vector<16xf32>
    %scan3A = arith.constant 0 : i32
    %scan3A_2 = arith.constant 0 : i32
    %scan3A_3 = arith.constant 640 : i32
    %scan3A_4 = arith.addi %scan3A_2, %scan3A_3 : i32
    %scan3A_5 = arith.constant 1 : i32
    %scan3A_6 = scf.for %scan3A_17 = %scan3A_2 to %scan3A_4 step %scan3A_5 iter_args(%scan3A_18 = %scan3A) -> (i32)  : i32 {
      %mul3A_19 = arith.constant 16 : i32
      %mul3A_20 = arith.muli %scan3A_17, %mul3A_19 : i32
      %swap3A = arith.index_cast %mul3A_20 : i32 to index
      %swap3A_21 = tpu.vector_load %arg9[%swap3A] {strides = array<i32>} : memref<10240xf32, #tpu.memory_space<vmem>>, vector<16xf32>,
      tpu.vector_store %arg9[%swap3A], %broadcast_in_dim3A_1 {strides = array<i32>} : memref<10240xf32, #tpu.memory_space<vmem>>, vector<16xf32>,
      %scan3A_22 = arith.constant 0 : i32
      scf.yield %scan3A_22 : i32
    }
    %scan3A_7 = arith.constant 640 : i32
    "tpu.region"() ({
      %run_scoped3A = tpu.sem_alloc : memref<!tpu.dma_semaphore, #tpu.memory_space<semaphore_mem>>
      %dma_start3A = arith.constant 0 : i32
      %dma_start3A_17 = arith.constant 0 : i32
      %dma_start3A_18 = tpu.memref_slice %arg3[%add3A, %dma_start3A, %dma_start3A_17] : memref<32x125x80xi32, #tpu.memory_space<hbm>> -> memref<1x125x80xi32, #tpu.memory_space<hbm>>
      %dma_start3A_19 = tpu.memref_squeeze %dma_start3A_18 : memref<1x125x80xi32, #tpu.memory_space<hbm>> -> memref<125x80xi32, #tpu.memory_space<hbm>>
      %dma_start3A_20 = arith.constant 0 : i32
      %dma_start3A_21 = arith.constant 0 : i32
      %dma_start3A_22 = tpu.memref_slice %arg3[%add3A, %dma_start3A_20, %dma_start3A_21] : memref<32x125x80xi32, #tpu.memory_space<hbm>> -> memref<1x125x80xi32, #tpu.memory_space<hbm>>
      %dma_start3A_23 = tpu.memref_squeeze %dma_start3A_22 : memref<1x125x80xi32, #tpu.memory_space<hbm>> -> memref<125x80xi32, #tpu.memory_space<hbm>>
      tpu.enqueue_dma source(%dma_start3A_23 : memref<125x80xi32, #tpu.memory_space<hbm>>) target(%arg6 : memref<125x80xi32, #tpu.memory_space<vmem>>) target_semaphore(%run_scoped3A : memref<!tpu.dma_semaphore, #tpu.memory_space<semaphore_mem>>)
      %dma_wait3A = arith.constant 0 : i32
      %dma_wait3A_24 = arith.constant 0 : i32
      %dma_wait3A_25 = tpu.memref_slice %arg3[%add3A, %dma_wait3A, %dma_wait3A_24] : memref<32x125x80xi32, #tpu.memory_space<hbm>> -> memref<1x125x80xi32, #tpu.memory_space<hbm>>
      %dma_wait3A_26 = tpu.memref_squeeze %dma_wait3A_25 : memref<1x125x80xi32, #tpu.memory_space<hbm>> -> memref<125x80xi32, #tpu.memory_space<hbm>>
      %dma_wait3A_27 = arith.constant 0 : i32
      %dma_wait3A_28 = arith.constant 0 : i32
      %dma_wait3A_29 = tpu.memref_slice %arg3[%add3A, %dma_wait3A_27, %dma_wait3A_28] : memref<32x125x80xi32, #tpu.memory_space<hbm>> -> memref<1x125x80xi32, #tpu.memory_space<hbm>>
      %dma_wait3A_30 = tpu.memref_squeeze %dma_wait3A_29 : memref<1x125x80xi32, #tpu.memory_space<hbm>> -> memref<125x80xi32, #tpu.memory_space<hbm>>
      tpu.wait_dma2 semaphore(%run_scoped3A : memref<!tpu.dma_semaphore, #tpu.memory_space<semaphore_mem>>) src(%dma_wait3A_30 : memref<125x80xi32, #tpu.memory_space<hbm>>) dst(%arg6 : memref<125x80xi32, #tpu.memory_space<vmem>>)
      tpu.yield
    }) : () -> ()
    "tpu.region"() ({
      %run_scoped3A = tpu.sem_alloc : memref<!tpu.dma_semaphore, #tpu.memory_space<semaphore_mem>>
      %dma_start3A = arith.constant 0 : i32
      %dma_start3A_17 = arith.constant 0 : i32
      %dma_start3A_18 = tpu.memref_slice %arg4[%add3A, %dma_start3A, %dma_start3A_17] : memref<32x125x80xi32, #tpu.memory_space<hbm>> -> memref<1x125x80xi32, #tpu.memory_space<hbm>>
      %dma_start3A_19 = tpu.memref_squeeze %dma_start3A_18 : memref<1x125x80xi32, #tpu.memory_space<hbm>> -> memref<125x80xi32, #tpu.memory_space<hbm>>
      %dma_start3A_20 = arith.constant 0 : i32
      %dma_start3A_21 = arith.constant 0 : i32
      %dma_start3A_22 = tpu.memref_slice %arg4[%add3A, %dma_start3A_20, %dma_start3A_21] : memref<32x125x80xi32, #tpu.memory_space<hbm>> -> memref<1x125x80xi32, #tpu.memory_space<hbm>>
      %dma_start3A_23 = tpu.memref_squeeze %dma_start3A_22 : memref<1x125x80xi32, #tpu.memory_space<hbm>> -> memref<125x80xi32, #tpu.memory_space<hbm>>
      tpu.enqueue_dma source(%dma_start3A_23 : memref<125x80xi32, #tpu.memory_space<hbm>>) target(%arg7 : memref<125x80xi32, #tpu.memory_space<vmem>>) target_semaphore(%run_scoped3A : memref<!tpu.dma_semaphore, #tpu.memory_space<semaphore_mem>>)
      %dma_wait3A = arith.constant 0 : i32
      %dma_wait3A_24 = arith.constant 0 : i32
      %dma_wait3A_25 = tpu.memref_slice %arg4[%add3A, %dma_wait3A, %dma_wait3A_24] : memref<32x125x80xi32, #tpu.memory_space<hbm>> -> memref<1x125x80xi32, #tpu.memory_space<hbm>>
      %dma_wait3A_26 = tpu.memref_squeeze %dma_wait3A_25 : memref<1x125x80xi32, #tpu.memory_space<hbm>> -> memref<125x80xi32, #tpu.memory_space<hbm>>
      %dma_wait3A_27 = arith.constant 0 : i32
      %dma_wait3A_28 = arith.constant 0 : i32
      %dma_wait3A_29 = tpu.memref_slice %arg4[%add3A, %dma_wait3A_27, %dma_wait3A_28] : memref<32x125x80xi32, #tpu.memory_space<hbm>> -> memref<1x125x80xi32, #tpu.memory_space<hbm>>
      %dma_wait3A_30 = tpu.memref_squeeze %dma_wait3A_29 : memref<1x125x80xi32, #tpu.memory_space<hbm>> -> memref<125x80xi32, #tpu.memory_space<hbm>>
      tpu.wait_dma2 semaphore(%run_scoped3A : memref<!tpu.dma_semaphore, #tpu.memory_space<semaphore_mem>>) src(%dma_wait3A_30 : memref<125x80xi32, #tpu.memory_space<hbm>>) dst(%arg7 : memref<125x80xi32, #tpu.memory_space<vmem>>)
      tpu.yield
    }) : () -> ()
    "tpu.region"() ({
      %run_scoped3A = tpu.sem_alloc : memref<!tpu.dma_semaphore, #tpu.memory_space<semaphore_mem>>
      tpu.enqueue_dma source(%arg2 : memref<10000xf32, #tpu.memory_space<hbm>>) target(%arg8 : memref<10000xf32, #tpu.memory_space<vmem>>) target_semaphore(%run_scoped3A : memref<!tpu.dma_semaphore, #tpu.memory_space<semaphore_mem>>)
      tpu.wait_dma2 semaphore(%run_scoped3A : memref<!tpu.dma_semaphore, #tpu.memory_space<semaphore_mem>>) src(%arg2 : memref<10000xf32, #tpu.memory_space<hbm>>) dst(%arg8 : memref<10000xf32, #tpu.memory_space<vmem>>)
      tpu.yield
    }) : () -> ()
    %scan3A_8 = arith.constant 0 : i32
    %scan3A_9 = arith.constant 0 : i32
    %scan3A_10 = arith.constant 125 : i32
    %scan3A_11 = arith.addi %scan3A_9, %scan3A_10 : i32
    %scan3A_12 = arith.constant 1 : i32
    %scan3A_13 = scf.for %scan3A_17 = %scan3A_9 to %scan3A_11 step %scan3A_12 iter_args(%scan3A_18 = %scan3A_8) -> (i32)  : i32 {
      %get3A = arith.index_cast %scan3A_17 : i32 to index
      %get3A_19 = arith.constant 0 : index
      %get3A_20 = tpu.vector_load %arg6[%get3A, %get3A_19] {strides = array<i32>} : memref<125x80xi32, #tpu.memory_space<vmem>>, vector<16xi32>,
      %get3A_21 = arith.index_cast %scan3A_17 : i32 to index
      %get3A_22 = arith.constant 0 : index
      %get3A_23 = tpu.vector_load %arg7[%get3A_21, %get3A_22] {strides = array<i32>} : memref<125x80xi32, #tpu.memory_space<vmem>>, vector<16xi32>,
      %gather3A = tpu.vector_load_idx %arg8[%get3A_20] : memref<10000xf32, #tpu.memory_space<vmem>>[vector<16xi32>], vector<16xf32>,
      tpu.vector_store_idx %arg9[%get3A_23], %gather3A {add = true} : memref<10240xf32, #tpu.memory_space<vmem>>[vector<16xi32>], vector<16xf32>,
      %get3A_24 = arith.index_cast %scan3A_17 : i32 to index
      %get3A_25 = arith.constant 16 : index
      %get3A_26 = tpu.vector_load %arg6[%get3A_24, %get3A_25] {strides = array<i32>} : memref<125x80xi32, #tpu.memory_space<vmem>>, vector<16xi32>,
      %get3A_27 = arith.index_cast %scan3A_17 : i32 to index
      %get3A_28 = arith.constant 16 : index
      %get3A_29 = tpu.vector_load %arg7[%get3A_27, %get3A_28] {strides = array<i32>} : memref<125x80xi32, #tpu.memory_space<vmem>>, vector<16xi32>,
      %gather3A_30 = tpu.vector_load_idx %arg8[%get3A_26] : memref<10000xf32, #tpu.memory_space<vmem>>[vector<16xi32>], vector<16xf32>,
      tpu.vector_store_idx %arg9[%get3A_29], %gather3A_30 {add = true} : memref<10240xf32, #tpu.memory_space<vmem>>[vector<16xi32>], vector<16xf32>,
      %get3A_31 = arith.index_cast %scan3A_17 : i32 to index
      %get3A_32 = arith.constant 32 : index
      %get3A_33 = tpu.vector_load %arg6[%get3A_31, %get3A_32] {strides = array<i32>} : memref<125x80xi32, #tpu.memory_space<vmem>>, vector<16xi32>,
      %get3A_34 = arith.index_cast %scan3A_17 : i32 to index
      %get3A_35 = arith.constant 32 : index
      %get3A_36 = tpu.vector_load %arg7[%get3A_34, %get3A_35] {strides = array<i32>} : memref<125x80xi32, #tpu.memory_space<vmem>>, vector<16xi32>,
      %gather3A_37 = tpu.vector_load_idx %arg8[%get3A_33] : memref<10000xf32, #tpu.memory_space<vmem>>[vector<16xi32>], vector<16xf32>,
      tpu.vector_store_idx %arg9[%get3A_36], %gather3A_37 {add = true} : memref<10240xf32, #tpu.memory_space<vmem>>[vector<16xi32>], vector<16xf32>,
      %get3A_38 = arith.index_cast %scan3A_17 : i32 to index
      %get3A_39 = arith.constant 48 : index
      %get3A_40 = tpu.vector_load %arg6[%get3A_38, %get3A_39] {strides = array<i32>} : memref<125x80xi32, #tpu.memory_space<vmem>>, vector<16xi32>,
      %get3A_41 = arith.index_cast %scan3A_17 : i32 to index
      %get3A_42 = arith.constant 48 : index
      %get3A_43 = tpu.vector_load %arg7[%get3A_41, %get3A_42] {strides = array<i32>} : memref<125x80xi32, #tpu.memory_space<vmem>>, vector<16xi32>,
      %gather3A_44 = tpu.vector_load_idx %arg8[%get3A_40] : memref<10000xf32, #tpu.memory_space<vmem>>[vector<16xi32>], vector<16xf32>,
      tpu.vector_store_idx %arg9[%get3A_43], %gather3A_44 {add = true} : memref<10240xf32, #tpu.memory_space<vmem>>[vector<16xi32>], vector<16xf32>,
      %get3A_45 = arith.index_cast %scan3A_17 : i32 to index
      %get3A_46 = arith.constant 64 : index
      %get3A_47 = tpu.vector_load %arg6[%get3A_45, %get3A_46] {strides = array<i32>} : memref<125x80xi32, #tpu.memory_space<vmem>>, vector<16xi32>,
      %get3A_48 = arith.index_cast %scan3A_17 : i32 to index
      %get3A_49 = arith.constant 64 : index
      %get3A_50 = tpu.vector_load %arg7[%get3A_48, %get3A_49] {strides = array<i32>} : memref<125x80xi32, #tpu.memory_space<vmem>>, vector<16xi32>,
      %gather3A_51 = tpu.vector_load_idx %arg8[%get3A_47] : memref<10000xf32, #tpu.memory_space<vmem>>[vector<16xi32>], vector<16xf32>,
      tpu.vector_store_idx %arg9[%get3A_50], %gather3A_51 {add = true} : memref<10240xf32, #tpu.memory_space<vmem>>[vector<16xi32>], vector<16xf32>,
      %scan3A_52 = arith.constant 0 : i32
      scf.yield %scan3A_52 : i32
    }
    %scan3A_14 = arith.constant 125 : i32
    %mul3A_15 = arith.constant 10240 : i32
    %mul3A_16 = arith.muli %add3A, %mul3A_15 : i32
    "tpu.region"() ({
      %run_scoped3A = tpu.sem_alloc : memref<!tpu.dma_semaphore, #tpu.memory_space<semaphore_mem>>
      %dma_start3A = tpu.memref_slice %arg5[%mul3A_16] : memref<327680xf32, #tpu.memory_space<hbm>> -> memref<10240xf32, #tpu.memory_space<hbm>>
      %dma_start3A_17 = tpu.memref_slice %arg5[%mul3A_16] : memref<327680xf32, #tpu.memory_space<hbm>> -> memref<10240xf32, #tpu.memory_space<hbm>>
      tpu.enqueue_dma source(%arg9 : memref<10240xf32, #tpu.memory_space<vmem>>) target(%dma_start3A_17 : memref<10240xf32, #tpu.memory_space<hbm>>) target_semaphore(%run_scoped3A : memref<!tpu.dma_semaphore, #tpu.memory_space<semaphore_mem>>)
      %dma_wait3A = tpu.memref_slice %arg5[%mul3A_16] : memref<327680xf32, #tpu.memory_space<hbm>> -> memref<10240xf32, #tpu.memory_space<hbm>>
      %dma_wait3A_18 = tpu.memref_slice %arg5[%mul3A_16] : memref<327680xf32, #tpu.memory_space<hbm>> -> memref<10240xf32, #tpu.memory_space<hbm>>
      tpu.wait_dma2 semaphore(%run_scoped3A : memref<!tpu.dma_semaphore, #tpu.memory_space<semaphore_mem>>) src(%arg9 : memref<10240xf32, #tpu.memory_space<vmem>>) dst(%dma_wait3A_18 : memref<10240xf32, #tpu.memory_space<hbm>>)
      tpu.yield
    }) : () -> ()
    return
  }
}

#map = affine_map<(d0, d1) -> (0, 0)>
#map1 = affine_map<(d0, d1) -> (0, 0, 0)>
module attributes {stable_mosaic.version = 14 : i64} {
  func.func @_phase1(%arg0: i32, %arg1: i32, %arg2: memref<10000x128xf32, #tpu.memory_space<hbm>>, %arg3: memref<32x125x80xi32, #tpu.memory_space<hbm>>, %arg4: memref<32x125x80xi32, #tpu.memory_space<hbm>>, %arg5: memref<2x10240x128xf32, #tpu.memory_space<hbm>>, %arg6: memref<2x10240xf32, #tpu.memory_space<hbm>>, %arg7: memref<125x80xi32, #tpu.memory_space<vmem>>, %arg8: memref<125x80xi32, #tpu.memory_space<vmem>>, %arg9: memref<80x128xf32, #tpu.memory_space<vmem>>, %arg10: memref<80xf32, #tpu.memory_space<vmem>>, %arg11: memref<640xf32, #tpu.memory_space<vmem>>, %arg12: memref<10240x128xf32, #tpu.memory_space<vmem_shared>>, %arg13: memref<10240xf32, #tpu.memory_space<vmem_shared>>) attributes {dimension_semantics = [#tpu.dimension_semantics<core_parallel>, #tpu.dimension_semantics<subcore_parallel>], iteration_bounds = array<i64: 2, 16>, scalar_prefetch = 0 : i64, scratch_operands = 7 : i64, tpu.core_type = #tpu.core_type<sc_vector_subcore>, window_params = [{transform_indices = #map}, {transform_indices = #map1}, {transform_indices = #map1}, {transform_indices = #map1}, {transform_indices = #map}]} {
    %mul3A = arith.constant 16 : i32
    %mul3A_0 = arith.muli %arg0, %mul3A : i32
    %add3A = arith.addi %mul3A_0, %arg1 : i32
    %broadcast_in_dim3A = arith.constant 0.000000e+00 : f32
    %broadcast_in_dim3A_1 = vector.broadcast %broadcast_in_dim3A : f32 to vector<16xf32>
    %broadcast_in_dim3A_2 = arith.constant 1.000000e+00 : f32
    %broadcast_in_dim3A_3 = vector.broadcast %broadcast_in_dim3A_2 : f32 to vector<16xf32>
    %scan3A = arith.constant 0 : i32
    %scan3A_4 = arith.constant 0 : i32
    %scan3A_5 = arith.constant 80 : i32
    %scan3A_6 = arith.addi %scan3A_4, %scan3A_5 : i32
    %scan3A_7 = arith.constant 1 : i32
    %scan3A_8 = scf.for %scan3A_102 = %scan3A_4 to %scan3A_6 step %scan3A_7 iter_args(%scan3A_103 = %scan3A) -> (i32)  : i32 {
      %swap3A = arith.index_cast %scan3A_102 : i32 to index
      %swap3A_104 = arith.constant 0 : index
      %swap3A_105 = tpu.vector_load %arg9[%swap3A, %swap3A_104] {strides = array<i32>} : memref<80x128xf32, #tpu.memory_space<vmem>>, vector<1x16xf32>,
      %swap3A_106 = vector.shape_cast %swap3A_105 : vector<1x16xf32> to vector<16xf32>
      %swap3A_107 = vector.shape_cast %broadcast_in_dim3A_1 : vector<16xf32> to vector<1x16xf32>
      tpu.vector_store %arg9[%swap3A, %swap3A_104], %swap3A_107 {strides = array<i32>} : memref<80x128xf32, #tpu.memory_space<vmem>>, vector<1x16xf32>,
      %swap3A_108 = arith.index_cast %scan3A_102 : i32 to index
      %swap3A_109 = arith.constant 16 : index
      %swap3A_110 = tpu.vector_load %arg9[%swap3A_108, %swap3A_109] {strides = array<i32>} : memref<80x128xf32, #tpu.memory_space<vmem>>, vector<1x16xf32>,
      %swap3A_111 = vector.shape_cast %swap3A_110 : vector<1x16xf32> to vector<16xf32>
      %swap3A_112 = vector.shape_cast %broadcast_in_dim3A_1 : vector<16xf32> to vector<1x16xf32>
      tpu.vector_store %arg9[%swap3A_108, %swap3A_109], %swap3A_112 {strides = array<i32>} : memref<80x128xf32, #tpu.memory_space<vmem>>, vector<1x16xf32>,
      %swap3A_113 = arith.index_cast %scan3A_102 : i32 to index
      %swap3A_114 = arith.constant 32 : index
      %swap3A_115 = tpu.vector_load %arg9[%swap3A_113, %swap3A_114] {strides = array<i32>} : memref<80x128xf32, #tpu.memory_space<vmem>>, vector<1x16xf32>,
      %swap3A_116 = vector.shape_cast %swap3A_115 : vector<1x16xf32> to vector<16xf32>
      %swap3A_117 = vector.shape_cast %broadcast_in_dim3A_1 : vector<16xf32> to vector<1x16xf32>
      tpu.vector_store %arg9[%swap3A_113, %swap3A_114], %swap3A_117 {strides = array<i32>} : memref<80x128xf32, #tpu.memory_space<vmem>>, vector<1x16xf32>,
      %swap3A_118 = arith.index_cast %scan3A_102 : i32 to index
      %swap3A_119 = arith.constant 48 : index
      %swap3A_120 = tpu.vector_load %arg9[%swap3A_118, %swap3A_119] {strides = array<i32>} : memref<80x128xf32, #tpu.memory_space<vmem>>, vector<1x16xf32>,
      %swap3A_121 = vector.shape_cast %swap3A_120 : vector<1x16xf32> to vector<16xf32>
      %swap3A_122 = vector.shape_cast %broadcast_in_dim3A_1 : vector<16xf32> to vector<1x16xf32>
      tpu.vector_store %arg9[%swap3A_118, %swap3A_119], %swap3A_122 {strides = array<i32>} : memref<80x128xf32, #tpu.memory_space<vmem>>, vector<1x16xf32>,
      %swap3A_123 = arith.index_cast %scan3A_102 : i32 to index
      %swap3A_124 = arith.constant 64 : index
      %swap3A_125 = tpu.vector_load %arg9[%swap3A_123, %swap3A_124] {strides = array<i32>} : memref<80x128xf32, #tpu.memory_space<vmem>>, vector<1x16xf32>,
      %swap3A_126 = vector.shape_cast %swap3A_125 : vector<1x16xf32> to vector<16xf32>
      %swap3A_127 = vector.shape_cast %broadcast_in_dim3A_1 : vector<16xf32> to vector<1x16xf32>
      tpu.vector_store %arg9[%swap3A_123, %swap3A_124], %swap3A_127 {strides = array<i32>} : memref<80x128xf32, #tpu.memory_space<vmem>>, vector<1x16xf32>,
      %swap3A_128 = arith.index_cast %scan3A_102 : i32 to index
      %swap3A_129 = arith.constant 80 : index
      %swap3A_130 = tpu.vector_load %arg9[%swap3A_128, %swap3A_129] {strides = array<i32>} : memref<80x128xf32, #tpu.memory_space<vmem>>, vector<1x16xf32>,
      %swap3A_131 = vector.shape_cast %swap3A_130 : vector<1x16xf32> to vector<16xf32>
      %swap3A_132 = vector.shape_cast %broadcast_in_dim3A_1 : vector<16xf32> to vector<1x16xf32>
      tpu.vector_store %arg9[%swap3A_128, %swap3A_129], %swap3A_132 {strides = array<i32>} : memref<80x128xf32, #tpu.memory_space<vmem>>, vector<1x16xf32>,
      %swap3A_133 = arith.index_cast %scan3A_102 : i32 to index
      %swap3A_134 = arith.constant 96 : index
      %swap3A_135 = tpu.vector_load %arg9[%swap3A_133, %swap3A_134] {strides = array<i32>} : memref<80x128xf32, #tpu.memory_space<vmem>>, vector<1x16xf32>,
      %swap3A_136 = vector.shape_cast %swap3A_135 : vector<1x16xf32> to vector<16xf32>
      %swap3A_137 = vector.shape_cast %broadcast_in_dim3A_1 : vector<16xf32> to vector<1x16xf32>
      tpu.vector_store %arg9[%swap3A_133, %swap3A_134], %swap3A_137 {strides = array<i32>} : memref<80x128xf32, #tpu.memory_space<vmem>>, vector<1x16xf32>,
      %swap3A_138 = arith.index_cast %scan3A_102 : i32 to index
      %swap3A_139 = arith.constant 112 : index
      %swap3A_140 = tpu.vector_load %arg9[%swap3A_138, %swap3A_139] {strides = array<i32>} : memref<80x128xf32, #tpu.memory_space<vmem>>, vector<1x16xf32>,
      %swap3A_141 = vector.shape_cast %swap3A_140 : vector<1x16xf32> to vector<16xf32>
      %swap3A_142 = vector.shape_cast %broadcast_in_dim3A_1 : vector<16xf32> to vector<1x16xf32>
      tpu.vector_store %arg9[%swap3A_138, %swap3A_139], %swap3A_142 {strides = array<i32>} : memref<80x128xf32, #tpu.memory_space<vmem>>, vector<1x16xf32>,
      %scan3A_143 = arith.constant 0 : i32
      scf.yield %scan3A_143 : i32
    }
    %scan3A_9 = arith.constant 80 : i32
    %scan3A_10 = arith.constant 0 : i32
    %scan3A_11 = arith.constant 0 : i32
    %scan3A_12 = arith.constant 40 : i32
    %scan3A_13 = arith.addi %scan3A_11, %scan3A_12 : i32
    %scan3A_14 = arith.constant 1 : i32
    %scan3A_15 = scf.for %scan3A_102 = %scan3A_11 to %scan3A_13 step %scan3A_14 iter_args(%scan3A_103 = %scan3A_10) -> (i32)  : i32 {
      %mul3A_104 = arith.constant 16 : i32
      %mul3A_105 = arith.muli %scan3A_102, %mul3A_104 : i32
      %swap3A = arith.index_cast %mul3A_105 : i32 to index
      %swap3A_106 = tpu.vector_load %arg11[%swap3A] {strides = array<i32>} : memref<640xf32, #tpu.memory_space<vmem>>, vector<16xf32>,
      %swap3A_107 = vector.shape_cast %swap3A_106 : vector<16xf32> to vector<16xf32>
      %swap3A_108 = vector.shape_cast %broadcast_in_dim3A_1 : vector<16xf32> to vector<16xf32>
      tpu.vector_store %arg11[%swap3A], %swap3A_108 {strides = array<i32>} : memref<640xf32, #tpu.memory_space<vmem>>, vector<16xf32>,
      %scan3A_109 = arith.constant 0 : i32
      scf.yield %scan3A_109 : i32
    }
    %scan3A_16 = arith.constant 40 : i32
    %scan3A_17 = arith.constant 0 : i32
    %scan3A_18 = arith.constant 0 : i32
    %scan3A_19 = arith.constant 5 : i32
    %scan3A_20 = arith.addi %scan3A_18, %scan3A_19 : i32
    %scan3A_21 = arith.constant 1 : i32
    %scan3A_22 = scf.for %scan3A_102 = %scan3A_18 to %scan3A_20 step %scan3A_21 iter_args(%scan3A_103 = %scan3A_17) -> (i32)  : i32 {
      %mul3A_104 = arith.constant 16 : i32
      %mul3A_105 = arith.muli %scan3A_102, %mul3A_104 : i32
      %swap3A = arith.index_cast %mul3A_105 : i32 to index
      %swap3A_106 = tpu.vector_load %arg10[%swap3A] {strides = array<i32>} : memref<80xf32, #tpu.memory_space<vmem>>, vector<16xf32>,
      %swap3A_107 = vector.shape_cast %swap3A_106 : vector<16xf32> to vector<16xf32>
      %swap3A_108 = vector.shape_cast %broadcast_in_dim3A_3 : vector<16xf32> to vector<16xf32>
      tpu.vector_store %arg10[%swap3A], %swap3A_108 {strides = array<i32>} : memref<80xf32, #tpu.memory_space<vmem>>, vector<16xf32>,
      %scan3A_109 = arith.constant 0 : i32
      scf.yield %scan3A_109 : i32
    }
    %scan3A_23 = arith.constant 5 : i32
    %mul3A_24 = arith.constant 640 : i32
    %mul3A_25 = arith.muli %arg1, %mul3A_24 : i32
    %add3A_26 = arith.constant 0 : i32
    %add3A_27 = arith.addi %mul3A_25, %add3A_26 : i32
    "tpu.region"() ({
      %run_scoped3A = tpu.sem_alloc : memref<!tpu.dma_semaphore, #tpu.memory_space<semaphore_mem>>
      %dma_start3A = arith.constant 0 : i32
      %dma_start3A_102 = tpu.memref_slice %arg12[%add3A_27, %dma_start3A] : memref<10240x128xf32, #tpu.memory_space<vmem_shared>> -> memref<80x128xf32, #tpu.memory_space<vmem_shared>>
      %dma_start3A_103 = arith.constant 0 : i32
      %dma_start3A_104 = tpu.memref_slice %arg12[%add3A_27, %dma_start3A_103] : memref<10240x128xf32, #tpu.memory_space<vmem_shared>> -> memref<80x128xf32, #tpu.memory_space<vmem_shared>>
      tpu.enqueue_dma source(%arg9 : memref<80x128xf32, #tpu.memory_space<vmem>>) target(%dma_start3A_104 : memref<80x128xf32, #tpu.memory_space<vmem_shared>>) target_semaphore(%run_scoped3A : memref<!tpu.dma_semaphore, #tpu.memory_space<semaphore_mem>>)
      %dma_wait3A = arith.constant 0 : i32
      %dma_wait3A_105 = tpu.memref_slice %arg12[%add3A_27, %dma_wait3A] : memref<10240x128xf32, #tpu.memory_space<vmem_shared>> -> memref<80x128xf32, #tpu.memory_space<vmem_shared>>
      %dma_wait3A_106 = arith.constant 0 : i32
      %dma_wait3A_107 = tpu.memref_slice %arg12[%add3A_27, %dma_wait3A_106] : memref<10240x128xf32, #tpu.memory_space<vmem_shared>> -> memref<80x128xf32, #tpu.memory_space<vmem_shared>>
      tpu.wait_dma2 semaphore(%run_scoped3A : memref<!tpu.dma_semaphore, #tpu.memory_space<semaphore_mem>>) src(%arg9 : memref<80x128xf32, #tpu.memory_space<vmem>>) dst(%dma_wait3A_107 : memref<80x128xf32, #tpu.memory_space<vmem_shared>>)
      tpu.yield
    }) : () -> ()
    %mul3A_28 = arith.constant 640 : i32
    %mul3A_29 = arith.muli %arg1, %mul3A_28 : i32
    %add3A_30 = arith.constant 80 : i32
    %add3A_31 = arith.addi %mul3A_29, %add3A_30 : i32
    "tpu.region"() ({
      %run_scoped3A = tpu.sem_alloc : memref<!tpu.dma_semaphore, #tpu.memory_space<semaphore_mem>>
      %dma_start3A = arith.constant 0 : i32
      %dma_start3A_102 = tpu.memref_slice %arg12[%add3A_31, %dma_start3A] : memref<10240x128xf32, #tpu.memory_space<vmem_shared>> -> memref<80x128xf32, #tpu.memory_space<vmem_shared>>
      %dma_start3A_103 = arith.constant 0 : i32
      %dma_start3A_104 = tpu.memref_slice %arg12[%add3A_31, %dma_start3A_103] : memref<10240x128xf32, #tpu.memory_space<vmem_shared>> -> memref<80x128xf32, #tpu.memory_space<vmem_shared>>
      tpu.enqueue_dma source(%arg9 : memref<80x128xf32, #tpu.memory_space<vmem>>) target(%dma_start3A_104 : memref<80x128xf32, #tpu.memory_space<vmem_shared>>) target_semaphore(%run_scoped3A : memref<!tpu.dma_semaphore, #tpu.memory_space<semaphore_mem>>)
      %dma_wait3A = arith.constant 0 : i32
      %dma_wait3A_105 = tpu.memref_slice %arg12[%add3A_31, %dma_wait3A] : memref<10240x128xf32, #tpu.memory_space<vmem_shared>> -> memref<80x128xf32, #tpu.memory_space<vmem_shared>>
      %dma_wait3A_106 = arith.constant 0 : i32
      %dma_wait3A_107 = tpu.memref_slice %arg12[%add3A_31, %dma_wait3A_106] : memref<10240x128xf32, #tpu.memory_space<vmem_shared>> -> memref<80x128xf32, #tpu.memory_space<vmem_shared>>
      tpu.wait_dma2 semaphore(%run_scoped3A : memref<!tpu.dma_semaphore, #tpu.memory_space<semaphore_mem>>) src(%arg9 : memref<80x128xf32, #tpu.memory_space<vmem>>) dst(%dma_wait3A_107 : memref<80x128xf32, #tpu.memory_space<vmem_shared>>)
      tpu.yield
    }) : () -> ()
    %mul3A_32 = arith.constant 640 : i32
    %mul3A_33 = arith.muli %arg1, %mul3A_32 : i32
    %add3A_34 = arith.constant 160 : i32
    %add3A_35 = arith.addi %mul3A_33, %add3A_34 : i32
    "tpu.region"() ({
      %run_scoped3A = tpu.sem_alloc : memref<!tpu.dma_semaphore, #tpu.memory_space<semaphore_mem>>
      %dma_start3A = arith.constant 0 : i32
      %dma_start3A_102 = tpu.memref_slice %arg12[%add3A_35, %dma_start3A] : memref<10240x128xf32, #tpu.memory_space<vmem_shared>> -> memref<80x128xf32, #tpu.memory_space<vmem_shared>>
      %dma_start3A_103 = arith.constant 0 : i32
      %dma_start3A_104 = tpu.memref_slice %arg12[%add3A_35, %dma_start3A_103] : memref<10240x128xf32, #tpu.memory_space<vmem_shared>> -> memref<80x128xf32, #tpu.memory_space<vmem_shared>>
      tpu.enqueue_dma source(%arg9 : memref<80x128xf32, #tpu.memory_space<vmem>>) target(%dma_start3A_104 : memref<80x128xf32, #tpu.memory_space<vmem_shared>>) target_semaphore(%run_scoped3A : memref<!tpu.dma_semaphore, #tpu.memory_space<semaphore_mem>>)
      %dma_wait3A = arith.constant 0 : i32
      %dma_wait3A_105 = tpu.memref_slice %arg12[%add3A_35, %dma_wait3A] : memref<10240x128xf32, #tpu.memory_space<vmem_shared>> -> memref<80x128xf32, #tpu.memory_space<vmem_shared>>
      %dma_wait3A_106 = arith.constant 0 : i32
      %dma_wait3A_107 = tpu.memref_slice %arg12[%add3A_35, %dma_wait3A_106] : memref<10240x128xf32, #tpu.memory_space<vmem_shared>> -> memref<80x128xf32, #tpu.memory_space<vmem_shared>>
      tpu.wait_dma2 semaphore(%run_scoped3A : memref<!tpu.dma_semaphore, #tpu.memory_space<semaphore_mem>>) src(%arg9 : memref<80x128xf32, #tpu.memory_space<vmem>>) dst(%dma_wait3A_107 : memref<80x128xf32, #tpu.memory_space<vmem_shared>>)
      tpu.yield
    }) : () -> ()
    %mul3A_36 = arith.constant 640 : i32
    %mul3A_37 = arith.muli %arg1, %mul3A_36 : i32
    %add3A_38 = arith.constant 240 : i32
    %add3A_39 = arith.addi %mul3A_37, %add3A_38 : i32
    "tpu.region"() ({
      %run_scoped3A = tpu.sem_alloc : memref<!tpu.dma_semaphore, #tpu.memory_space<semaphore_mem>>
      %dma_start3A = arith.constant 0 : i32
      %dma_start3A_102 = tpu.memref_slice %arg12[%add3A_39, %dma_start3A] : memref<10240x128xf32, #tpu.memory_space<vmem_shared>> -> memref<80x128xf32, #tpu.memory_space<vmem_shared>>
      %dma_start3A_103 = arith.constant 0 : i32
      %dma_start3A_104 = tpu.memref_slice %arg12[%add3A_39, %dma_start3A_103] : memref<10240x128xf32, #tpu.memory_space<vmem_shared>> -> memref<80x128xf32, #tpu.memory_space<vmem_shared>>
      tpu.enqueue_dma source(%arg9 : memref<80x128xf32, #tpu.memory_space<vmem>>) target(%dma_start3A_104 : memref<80x128xf32, #tpu.memory_space<vmem_shared>>) target_semaphore(%run_scoped3A : memref<!tpu.dma_semaphore, #tpu.memory_space<semaphore_mem>>)
      %dma_wait3A = arith.constant 0 : i32
      %dma_wait3A_105 = tpu.memref_slice %arg12[%add3A_39, %dma_wait3A] : memref<10240x128xf32, #tpu.memory_space<vmem_shared>> -> memref<80x128xf32, #tpu.memory_space<vmem_shared>>
      %dma_wait3A_106 = arith.constant 0 : i32
      %dma_wait3A_107 = tpu.memref_slice %arg12[%add3A_39, %dma_wait3A_106] : memref<10240x128xf32, #tpu.memory_space<vmem_shared>> -> memref<80x128xf32, #tpu.memory_space<vmem_shared>>
      tpu.wait_dma2 semaphore(%run_scoped3A : memref<!tpu.dma_semaphore, #tpu.memory_space<semaphore_mem>>) src(%arg9 : memref<80x128xf32, #tpu.memory_space<vmem>>) dst(%dma_wait3A_107 : memref<80x128xf32, #tpu.memory_space<vmem_shared>>)
      tpu.yield
    }) : () -> ()
    %mul3A_40 = arith.constant 640 : i32
    %mul3A_41 = arith.muli %arg1, %mul3A_40 : i32
    %add3A_42 = arith.constant 320 : i32
    %add3A_43 = arith.addi %mul3A_41, %add3A_42 : i32
    "tpu.region"() ({
      %run_scoped3A = tpu.sem_alloc : memref<!tpu.dma_semaphore, #tpu.memory_space<semaphore_mem>>
      %dma_start3A = arith.constant 0 : i32
      %dma_start3A_102 = tpu.memref_slice %arg12[%add3A_43, %dma_start3A] : memref<10240x128xf32, #tpu.memory_space<vmem_shared>> -> memref<80x128xf32, #tpu.memory_space<vmem_shared>>
      %dma_start3A_103 = arith.constant 0 : i32
      %dma_start3A_104 = tpu.memref_slice %arg12[%add3A_43, %dma_start3A_103] : memref<10240x128xf32, #tpu.memory_space<vmem_shared>> -> memref<80x128xf32, #tpu.memory_space<vmem_shared>>
      tpu.enqueue_dma source(%arg9 : memref<80x128xf32, #tpu.memory_space<vmem>>) target(%dma_start3A_104 : memref<80x128xf32, #tpu.memory_space<vmem_shared>>) target_semaphore(%run_scoped3A : memref<!tpu.dma_semaphore, #tpu.memory_space<semaphore_mem>>)
      %dma_wait3A = arith.constant 0 : i32
      %dma_wait3A_105 = tpu.memref_slice %arg12[%add3A_43, %dma_wait3A] : memref<10240x128xf32, #tpu.memory_space<vmem_shared>> -> memref<80x128xf32, #tpu.memory_space<vmem_shared>>
      %dma_wait3A_106 = arith.constant 0 : i32
      %dma_wait3A_107 = tpu.memref_slice %arg12[%add3A_43, %dma_wait3A_106] : memref<10240x128xf32, #tpu.memory_space<vmem_shared>> -> memref<80x128xf32, #tpu.memory_space<vmem_shared>>
      tpu.wait_dma2 semaphore(%run_scoped3A : memref<!tpu.dma_semaphore, #tpu.memory_space<semaphore_mem>>) src(%arg9 : memref<80x128xf32, #tpu.memory_space<vmem>>) dst(%dma_wait3A_107 : memref<80x128xf32, #tpu.memory_space<vmem_shared>>)
      tpu.yield
    }) : () -> ()
    %mul3A_44 = arith.constant 640 : i32
    %mul3A_45 = arith.muli %arg1, %mul3A_44 : i32
    %add3A_46 = arith.constant 400 : i32
    %add3A_47 = arith.addi %mul3A_45, %add3A_46 : i32
    "tpu.region"() ({
      %run_scoped3A = tpu.sem_alloc : memref<!tpu.dma_semaphore, #tpu.memory_space<semaphore_mem>>
      %dma_start3A = arith.constant 0 : i32
      %dma_start3A_102 = tpu.memref_slice %arg12[%add3A_47, %dma_start3A] : memref<10240x128xf32, #tpu.memory_space<vmem_shared>> -> memref<80x128xf32, #tpu.memory_space<vmem_shared>>
      %dma_start3A_103 = arith.constant 0 : i32
      %dma_start3A_104 = tpu.memref_slice %arg12[%add3A_47, %dma_start3A_103] : memref<10240x128xf32, #tpu.memory_space<vmem_shared>> -> memref<80x128xf32, #tpu.memory_space<vmem_shared>>
      tpu.enqueue_dma source(%arg9 : memref<80x128xf32, #tpu.memory_space<vmem>>) target(%dma_start3A_104 : memref<80x128xf32, #tpu.memory_space<vmem_shared>>) target_semaphore(%run_scoped3A : memref<!tpu.dma_semaphore, #tpu.memory_space<semaphore_mem>>)
      %dma_wait3A = arith.constant 0 : i32
      %dma_wait3A_105 = tpu.memref_slice %arg12[%add3A_47, %dma_wait3A] : memref<10240x128xf32, #tpu.memory_space<vmem_shared>> -> memref<80x128xf32, #tpu.memory_space<vmem_shared>>
      %dma_wait3A_106 = arith.constant 0 : i32
      %dma_wait3A_107 = tpu.memref_slice %arg12[%add3A_47, %dma_wait3A_106] : memref<10240x128xf32, #tpu.memory_space<vmem_shared>> -> memref<80x128xf32, #tpu.memory_space<vmem_shared>>
      tpu.wait_dma2 semaphore(%run_scoped3A : memref<!tpu.dma_semaphore, #tpu.memory_space<semaphore_mem>>) src(%arg9 : memref<80x128xf32, #tpu.memory_space<vmem>>) dst(%dma_wait3A_107 : memref<80x128xf32, #tpu.memory_space<vmem_shared>>)
      tpu.yield
    }) : () -> ()
    %mul3A_48 = arith.constant 640 : i32
    %mul3A_49 = arith.muli %arg1, %mul3A_48 : i32
    %add3A_50 = arith.constant 480 : i32
    %add3A_51 = arith.addi %mul3A_49, %add3A_50 : i32
    "tpu.region"() ({
      %run_scoped3A = tpu.sem_alloc : memref<!tpu.dma_semaphore, #tpu.memory_space<semaphore_mem>>
      %dma_start3A = arith.constant 0 : i32
      %dma_start3A_102 = tpu.memref_slice %arg12[%add3A_51, %dma_start3A] : memref<10240x128xf32, #tpu.memory_space<vmem_shared>> -> memref<80x128xf32, #tpu.memory_space<vmem_shared>>
      %dma_start3A_103 = arith.constant 0 : i32
      %dma_start3A_104 = tpu.memref_slice %arg12[%add3A_51, %dma_start3A_103] : memref<10240x128xf32, #tpu.memory_space<vmem_shared>> -> memref<80x128xf32, #tpu.memory_space<vmem_shared>>
      tpu.enqueue_dma source(%arg9 : memref<80x128xf32, #tpu.memory_space<vmem>>) target(%dma_start3A_104 : memref<80x128xf32, #tpu.memory_space<vmem_shared>>) target_semaphore(%run_scoped3A : memref<!tpu.dma_semaphore, #tpu.memory_space<semaphore_mem>>)
      %dma_wait3A = arith.constant 0 : i32
      %dma_wait3A_105 = tpu.memref_slice %arg12[%add3A_51, %dma_wait3A] : memref<10240x128xf32, #tpu.memory_space<vmem_shared>> -> memref<80x128xf32, #tpu.memory_space<vmem_shared>>
      %dma_wait3A_106 = arith.constant 0 : i32
      %dma_wait3A_107 = tpu.memref_slice %arg12[%add3A_51, %dma_wait3A_106] : memref<10240x128xf32, #tpu.memory_space<vmem_shared>> -> memref<80x128xf32, #tpu.memory_space<vmem_shared>>
      tpu.wait_dma2 semaphore(%run_scoped3A : memref<!tpu.dma_semaphore, #tpu.memory_space<semaphore_mem>>) src(%arg9 : memref<80x128xf32, #tpu.memory_space<vmem>>) dst(%dma_wait3A_107 : memref<80x128xf32, #tpu.memory_space<vmem_shared>>)
      tpu.yield
    }) : () -> ()
    %mul3A_52 = arith.constant 640 : i32
    %mul3A_53 = arith.muli %arg1, %mul3A_52 : i32
    %add3A_54 = arith.constant 560 : i32
    %add3A_55 = arith.addi %mul3A_53, %add3A_54 : i32
    "tpu.region"() ({
      %run_scoped3A = tpu.sem_alloc : memref<!tpu.dma_semaphore, #tpu.memory_space<semaphore_mem>>
      %dma_start3A = arith.constant 0 : i32
      %dma_start3A_102 = tpu.memref_slice %arg12[%add3A_55, %dma_start3A] : memref<10240x128xf32, #tpu.memory_space<vmem_shared>> -> memref<80x128xf32, #tpu.memory_space<vmem_shared>>
      %dma_start3A_103 = arith.constant 0 : i32
      %dma_start3A_104 = tpu.memref_slice %arg12[%add3A_55, %dma_start3A_103] : memref<10240x128xf32, #tpu.memory_space<vmem_shared>> -> memref<80x128xf32, #tpu.memory_space<vmem_shared>>
      tpu.enqueue_dma source(%arg9 : memref<80x128xf32, #tpu.memory_space<vmem>>) target(%dma_start3A_104 : memref<80x128xf32, #tpu.memory_space<vmem_shared>>) target_semaphore(%run_scoped3A : memref<!tpu.dma_semaphore, #tpu.memory_space<semaphore_mem>>)
      %dma_wait3A = arith.constant 0 : i32
      %dma_wait3A_105 = tpu.memref_slice %arg12[%add3A_55, %dma_wait3A] : memref<10240x128xf32, #tpu.memory_space<vmem_shared>> -> memref<80x128xf32, #tpu.memory_space<vmem_shared>>
      %dma_wait3A_106 = arith.constant 0 : i32
      %dma_wait3A_107 = tpu.memref_slice %arg12[%add3A_55, %dma_wait3A_106] : memref<10240x128xf32, #tpu.memory_space<vmem_shared>> -> memref<80x128xf32, #tpu.memory_space<vmem_shared>>
      tpu.wait_dma2 semaphore(%run_scoped3A : memref<!tpu.dma_semaphore, #tpu.memory_space<semaphore_mem>>) src(%arg9 : memref<80x128xf32, #tpu.memory_space<vmem>>) dst(%dma_wait3A_107 : memref<80x128xf32, #tpu.memory_space<vmem_shared>>)
      tpu.yield
    }) : () -> ()
    %mul3A_56 = arith.constant 640 : i32
    %mul3A_57 = arith.muli %arg1, %mul3A_56 : i32
    "tpu.region"() ({
      %run_scoped3A = tpu.sem_alloc : memref<!tpu.dma_semaphore, #tpu.memory_space<semaphore_mem>>
      %dma_start3A = tpu.memref_slice %arg13[%mul3A_57] : memref<10240xf32, #tpu.memory_space<vmem_shared>> -> memref<640xf32, #tpu.memory_space<vmem_shared>>
      %dma_start3A_102 = tpu.memref_slice %arg13[%mul3A_57] : memref<10240xf32, #tpu.memory_space<vmem_shared>> -> memref<640xf32, #tpu.memory_space<vmem_shared>>
      tpu.enqueue_dma source(%arg11 : memref<640xf32, #tpu.memory_space<vmem>>) target(%dma_start3A_102 : memref<640xf32, #tpu.memory_space<vmem_shared>>) target_semaphore(%run_scoped3A : memref<!tpu.dma_semaphore, #tpu.memory_space<semaphore_mem>>)
      %dma_wait3A = tpu.memref_slice %arg13[%mul3A_57] : memref<10240xf32, #tpu.memory_space<vmem_shared>> -> memref<640xf32, #tpu.memory_space<vmem_shared>>
      %dma_wait3A_103 = tpu.memref_slice %arg13[%mul3A_57] : memref<10240xf32, #tpu.memory_space<vmem_shared>> -> memref<640xf32, #tpu.memory_space<vmem_shared>>
      tpu.wait_dma2 semaphore(%run_scoped3A : memref<!tpu.dma_semaphore, #tpu.memory_space<semaphore_mem>>) src(%arg11 : memref<640xf32, #tpu.memory_space<vmem>>) dst(%dma_wait3A_103 : memref<640xf32, #tpu.memory_space<vmem_shared>>)
      tpu.yield
    }) : () -> ()
    "tpu.region"() ({
      %run_scoped3A = tpu.sem_alloc : memref<!tpu.dma_semaphore, #tpu.memory_space<semaphore_mem>>
      %dma_start3A = arith.constant 0 : i32
      %dma_start3A_102 = arith.constant 0 : i32
      %dma_start3A_103 = tpu.memref_slice %arg3[%add3A, %dma_start3A, %dma_start3A_102] : memref<32x125x80xi32, #tpu.memory_space<hbm>> -> memref<1x125x80xi32, #tpu.memory_space<hbm>>
      %dma_start3A_104 = tpu.memref_squeeze %dma_start3A_103 : memref<1x125x80xi32, #tpu.memory_space<hbm>> -> memref<125x80xi32, #tpu.memory_space<hbm>>
      %dma_start3A_105 = arith.constant 0 : i32
      %dma_start3A_106 = arith.constant 0 : i32
      %dma_start3A_107 = tpu.memref_slice %arg3[%add3A, %dma_start3A_105, %dma_start3A_106] : memref<32x125x80xi32, #tpu.memory_space<hbm>> -> memref<1x125x80xi32, #tpu.memory_space<hbm>>
      %dma_start3A_108 = tpu.memref_squeeze %dma_start3A_107 : memref<1x125x80xi32, #tpu.memory_space<hbm>> -> memref<125x80xi32, #tpu.memory_space<hbm>>
      tpu.enqueue_dma source(%dma_start3A_108 : memref<125x80xi32, #tpu.memory_space<hbm>>) target(%arg7 : memref<125x80xi32, #tpu.memory_space<vmem>>) target_semaphore(%run_scoped3A : memref<!tpu.dma_semaphore, #tpu.memory_space<semaphore_mem>>)
      %dma_wait3A = arith.constant 0 : i32
      %dma_wait3A_109 = arith.constant 0 : i32
      %dma_wait3A_110 = tpu.memref_slice %arg3[%add3A, %dma_wait3A, %dma_wait3A_109] : memref<32x125x80xi32, #tpu.memory_space<hbm>> -> memref<1x125x80xi32, #tpu.memory_space<hbm>>
      %dma_wait3A_111 = tpu.memref_squeeze %dma_wait3A_110 : memref<1x125x80xi32, #tpu.memory_space<hbm>> -> memref<125x80xi32, #tpu.memory_space<hbm>>
      %dma_wait3A_112 = arith.constant 0 : i32
      %dma_wait3A_113 = arith.constant 0 : i32
      %dma_wait3A_114 = tpu.memref_slice %arg3[%add3A, %dma_wait3A_112, %dma_wait3A_113] : memref<32x125x80xi32, #tpu.memory_space<hbm>> -> memref<1x125x80xi32, #tpu.memory_space<hbm>>
      %dma_wait3A_115 = tpu.memref_squeeze %dma_wait3A_114 : memref<1x125x80xi32, #tpu.memory_space<hbm>> -> memref<125x80xi32, #tpu.memory_space<hbm>>
      tpu.wait_dma2 semaphore(%run_scoped3A : memref<!tpu.dma_semaphore, #tpu.memory_space<semaphore_mem>>) src(%dma_wait3A_115 : memref<125x80xi32, #tpu.memory_space<hbm>>) dst(%arg7 : memref<125x80xi32, #tpu.memory_space<vmem>>)
      tpu.yield
    }) : () -> ()
    "tpu.region"() ({
      %run_scoped3A = tpu.sem_alloc : memref<!tpu.dma_semaphore, #tpu.memory_space<semaphore_mem>>
      %dma_start3A = arith.constant 0 : i32
      %dma_start3A_102 = arith.constant 0 : i32
      %dma_start3A_103 = tpu.memref_slice %arg4[%add3A, %dma_start3A, %dma_start3A_102] : memref<32x125x80xi32, #tpu.memory_space<hbm>> -> memref<1x125x80xi32, #tpu.memory_space<hbm>>
      %dma_start3A_104 = tpu.memref_squeeze %dma_start3A_103 : memref<1x125x80xi32, #tpu.memory_space<hbm>> -> memref<125x80xi32, #tpu.memory_space<hbm>>
      %dma_start3A_105 = arith.constant 0 : i32
      %dma_start3A_106 = arith.constant 0 : i32
      %dma_start3A_107 = tpu.memref_slice %arg4[%add3A, %dma_start3A_105, %dma_start3A_106] : memref<32x125x80xi32, #tpu.memory_space<hbm>> -> memref<1x125x80xi32, #tpu.memory_space<hbm>>
      %dma_start3A_108 = tpu.memref_squeeze %dma_start3A_107 : memref<1x125x80xi32, #tpu.memory_space<hbm>> -> memref<125x80xi32, #tpu.memory_space<hbm>>
      tpu.enqueue_dma source(%dma_start3A_108 : memref<125x80xi32, #tpu.memory_space<hbm>>) target(%arg8 : memref<125x80xi32, #tpu.memory_space<vmem>>) target_semaphore(%run_scoped3A : memref<!tpu.dma_semaphore, #tpu.memory_space<semaphore_mem>>)
      %dma_wait3A = arith.constant 0 : i32
      %dma_wait3A_109 = arith.constant 0 : i32
      %dma_wait3A_110 = tpu.memref_slice %arg4[%add3A, %dma_wait3A, %dma_wait3A_109] : memref<32x125x80xi32, #tpu.memory_space<hbm>> -> memref<1x125x80xi32, #tpu.memory_space<hbm>>
      %dma_wait3A_111 = tpu.memref_squeeze %dma_wait3A_110 : memref<1x125x80xi32, #tpu.memory_space<hbm>> -> memref<125x80xi32, #tpu.memory_space<hbm>>
      %dma_wait3A_112 = arith.constant 0 : i32
      %dma_wait3A_113 = arith.constant 0 : i32
      %dma_wait3A_114 = tpu.memref_slice %arg4[%add3A, %dma_wait3A_112, %dma_wait3A_113] : memref<32x125x80xi32, #tpu.memory_space<hbm>> -> memref<1x125x80xi32, #tpu.memory_space<hbm>>
      %dma_wait3A_115 = tpu.memref_squeeze %dma_wait3A_114 : memref<1x125x80xi32, #tpu.memory_space<hbm>> -> memref<125x80xi32, #tpu.memory_space<hbm>>
      tpu.wait_dma2 semaphore(%run_scoped3A : memref<!tpu.dma_semaphore, #tpu.memory_space<semaphore_mem>>) src(%dma_wait3A_115 : memref<125x80xi32, #tpu.memory_space<hbm>>) dst(%arg8 : memref<125x80xi32, #tpu.memory_space<vmem>>)
      tpu.yield
    }) : () -> ()
    %barrier3A = arith.constant 0 : index
    tpu.barrier barrier_id(%barrier3A)
    %scan3A_58 = arith.constant 0 : i32
    %scan3A_59 = arith.constant 0 : i32
    %scan3A_60 = arith.constant 125 : i32
    %scan3A_61 = arith.addi %scan3A_59, %scan3A_60 : i32
    %scan3A_62 = arith.constant 1 : i32
    %scan3A_63 = scf.for %scan3A_102 = %scan3A_59 to %scan3A_61 step %scan3A_62 iter_args(%scan3A_103 = %scan3A_58) -> (i32)  : i32 {
      "tpu.region"() ({
        %run_scoped3A = tpu.sem_alloc : memref<!tpu.dma_semaphore, #tpu.memory_space<semaphore_mem>>
        %dma_start3A = arith.constant 0 : i32
        %dma_start3A_105 = tpu.memref_slice %arg7[%scan3A_102, %dma_start3A] : memref<125x80xi32, #tpu.memory_space<vmem>> -> memref<1x80xi32, #tpu.memory_space<vmem>>
        %dma_start3A_106 = tpu.memref_squeeze %dma_start3A_105 : memref<1x80xi32, #tpu.memory_space<vmem>> -> memref<80xi32, #tpu.memory_space<vmem>>
        %dma_start3A_107 = arith.constant 0 : i32
        %dma_start3A_108 = arith.constant 0 : i32
        %dma_start3A_109 = tpu.memref_slice %arg2[%dma_start3A_107, %dma_start3A_108] : memref<10000x128xf32, #tpu.memory_space<hbm>> -> memref<10000x128xf32, #tpu.memory_space<hbm>>
        tpu.enqueue_indirect_dma source(%dma_start3A_109 : memref<10000x128xf32, #tpu.memory_space<hbm>>) target(%arg9 : memref<80x128xf32, #tpu.memory_space<vmem>>) offsets(%dma_start3A_106 : memref<80xi32, #tpu.memory_space<vmem>>) semaphore(%run_scoped3A : memref<!tpu.dma_semaphore, #tpu.memory_space<semaphore_mem>>)
        %dma_wait3A = arith.constant 0 : i32
        %dma_wait3A_110 = tpu.memref_slice %arg7[%scan3A_102, %dma_wait3A] : memref<125x80xi32, #tpu.memory_space<vmem>> -> memref<1x80xi32, #tpu.memory_space<vmem>>
        %dma_wait3A_111 = tpu.memref_squeeze %dma_wait3A_110 : memref<1x80xi32, #tpu.memory_space<vmem>> -> memref<80xi32, #tpu.memory_space<vmem>>
        %dma_wait3A_112 = arith.constant 0 : i32
        %dma_wait3A_113 = arith.constant 0 : i32
        %dma_wait3A_114 = tpu.memref_slice %arg2[%dma_wait3A_112, %dma_wait3A_113] : memref<10000x128xf32, #tpu.memory_space<hbm>> -> memref<10000x128xf32, #tpu.memory_space<hbm>>
        tpu.wait_indirect_dma semaphore(%run_scoped3A : memref<!tpu.dma_semaphore, #tpu.memory_space<semaphore_mem>>) src(%dma_wait3A_114 : memref<10000x128xf32, #tpu.memory_space<hbm>>) dst(%arg9 : memref<80x128xf32, #tpu.memory_space<vmem>>)
        tpu.yield
      }) : () -> ()
      "tpu.region"() ({
        %run_scoped3A = tpu.sem_alloc : memref<!tpu.dma_semaphore, #tpu.memory_space<semaphore_mem>>
        %dma_start3A = arith.constant 0 : i32
        %dma_start3A_105 = tpu.memref_slice %arg8[%scan3A_102, %dma_start3A] : memref<125x80xi32, #tpu.memory_space<vmem>> -> memref<1x80xi32, #tpu.memory_space<vmem>>
        %dma_start3A_106 = tpu.memref_squeeze %dma_start3A_105 : memref<1x80xi32, #tpu.memory_space<vmem>> -> memref<80xi32, #tpu.memory_space<vmem>>
        %dma_start3A_107 = arith.constant 0 : i32
        %dma_start3A_108 = arith.constant 0 : i32
        %dma_start3A_109 = tpu.memref_slice %arg12[%dma_start3A_107, %dma_start3A_108] : memref<10240x128xf32, #tpu.memory_space<vmem_shared>> -> memref<10240x128xf32, #tpu.memory_space<vmem_shared>>
        tpu.enqueue_indirect_dma source(%arg9 : memref<80x128xf32, #tpu.memory_space<vmem>>) target(%dma_start3A_109 : memref<10240x128xf32, #tpu.memory_space<vmem_shared>>) offsets(%dma_start3A_106 : memref<80xi32, #tpu.memory_space<vmem>>) semaphore(%run_scoped3A : memref<!tpu.dma_semaphore, #tpu.memory_space<semaphore_mem>>) {add = true}
        %dma_wait3A = arith.constant 0 : i32
        %dma_wait3A_110 = tpu.memref_slice %arg8[%scan3A_102, %dma_wait3A] : memref<125x80xi32, #tpu.memory_space<vmem>> -> memref<1x80xi32, #tpu.memory_space<vmem>>
        %dma_wait3A_111 = tpu.memref_squeeze %dma_wait3A_110 : memref<1x80xi32, #tpu.memory_space<vmem>> -> memref<80xi32, #tpu.memory_space<vmem>>
        %dma_wait3A_112 = arith.constant 0 : i32
        %dma_wait3A_113 = arith.constant 0 : i32
        %dma_wait3A_114 = tpu.memref_slice %arg12[%dma_wait3A_112, %dma_wait3A_113] : memref<10240x128xf32, #tpu.memory_space<vmem_shared>> -> memref<10240x128xf32, #tpu.memory_space<vmem_shared>>
        tpu.wait_indirect_dma semaphore(%run_scoped3A : memref<!tpu.dma_semaphore, #tpu.memory_space<semaphore_mem>>) src(%arg9 : memref<80x128xf32, #tpu.memory_space<vmem>>) dst(%dma_wait3A_114 : memref<10240x128xf32, #tpu.memory_space<vmem_shared>>)
        tpu.yield
      }) : () -> ()
      "tpu.region"() ({
        %run_scoped3A = tpu.sem_alloc : memref<!tpu.dma_semaphore, #tpu.memory_space<semaphore_mem>>
        %dma_start3A = arith.constant 0 : i32
        %dma_start3A_105 = tpu.memref_slice %arg8[%scan3A_102, %dma_start3A] : memref<125x80xi32, #tpu.memory_space<vmem>> -> memref<1x80xi32, #tpu.memory_space<vmem>>
        %dma_start3A_106 = tpu.memref_squeeze %dma_start3A_105 : memref<1x80xi32, #tpu.memory_space<vmem>> -> memref<80xi32, #tpu.memory_space<vmem>>
        %dma_start3A_107 = arith.constant 0 : i32
        %dma_start3A_108 = tpu.memref_slice %arg13[%dma_start3A_107] : memref<10240xf32, #tpu.memory_space<vmem_shared>> -> memref<10240xf32, #tpu.memory_space<vmem_shared>>
        tpu.enqueue_indirect_dma source(%arg10 : memref<80xf32, #tpu.memory_space<vmem>>) target(%dma_start3A_108 : memref<10240xf32, #tpu.memory_space<vmem_shared>>) offsets(%dma_start3A_106 : memref<80xi32, #tpu.memory_space<vmem>>) semaphore(%run_scoped3A : memref<!tpu.dma_semaphore, #tpu.memory_space<semaphore_mem>>) {add = true}
        %dma_wait3A = arith.constant 0 : i32
        %dma_wait3A_109 = tpu.memref_slice %arg8[%scan3A_102, %dma_wait3A] : memref<125x80xi32, #tpu.memory_space<vmem>> -> memref<1x80xi32, #tpu.memory_space<vmem>>
        %dma_wait3A_110 = tpu.memref_squeeze %dma_wait3A_109 : memref<1x80xi32, #tpu.memory_space<vmem>> -> memref<80xi32, #tpu.memory_space<vmem>>
        %dma_wait3A_111 = arith.constant 0 : i32
        %dma_wait3A_112 = tpu.memref_slice %arg13[%dma_wait3A_111] : memref<10240xf32, #tpu.memory_space<vmem_shared>> -> memref<10240xf32, #tpu.memory_space<vmem_shared>>
        tpu.wait_indirect_dma semaphore(%run_scoped3A : memref<!tpu.dma_semaphore, #tpu.memory_space<semaphore_mem>>) src(%arg10 : memref<80xf32, #tpu.memory_space<vmem>>) dst(%dma_wait3A_112 : memref<10240xf32, #tpu.memory_space<vmem_shared>>)
        tpu.yield
      }) : () -> ()
      %scan3A_104 = arith.constant 0 : i32
      scf.yield %scan3A_104 : i32
    }
    %scan3A_64 = arith.constant 125 : i32
    %barrier3A_65 = arith.constant 0 : index
    tpu.barrier barrier_id(%barrier3A_65)
    %mul3A_66 = arith.constant 640 : i32
    %mul3A_67 = arith.muli %arg1, %mul3A_66 : i32
    %add3A_68 = arith.constant 0 : i32
    %add3A_69 = arith.addi %mul3A_67, %add3A_68 : i32
    "tpu.region"() ({
      %run_scoped3A = tpu.sem_alloc : memref<!tpu.dma_semaphore, #tpu.memory_space<semaphore_mem>>
      %dma_start3A = arith.constant 0 : i32
      %dma_start3A_102 = tpu.memref_slice %arg12[%add3A_69, %dma_start3A] : memref<10240x128xf32, #tpu.memory_space<vmem_shared>> -> memref<80x128xf32, #tpu.memory_space<vmem_shared>>
      %dma_start3A_103 = arith.constant 0 : i32
      %dma_start3A_104 = tpu.memref_slice %arg12[%add3A_69, %dma_start3A_103] : memref<10240x128xf32, #tpu.memory_space<vmem_shared>> -> memref<80x128xf32, #tpu.memory_space<vmem_shared>>
      tpu.enqueue_dma source(%dma_start3A_104 : memref<80x128xf32, #tpu.memory_space<vmem_shared>>) target(%arg9 : memref<80x128xf32, #tpu.memory_space<vmem>>) target_semaphore(%run_scoped3A : memref<!tpu.dma_semaphore, #tpu.memory_space<semaphore_mem>>)
      %dma_wait3A = arith.constant 0 : i32
      %dma_wait3A_105 = tpu.memref_slice %arg12[%add3A_69, %dma_wait3A] : memref<10240x128xf32, #tpu.memory_space<vmem_shared>> -> memref<80x128xf32, #tpu.memory_space<vmem_shared>>
      %dma_wait3A_106 = arith.constant 0 : i32
      %dma_wait3A_107 = tpu.memref_slice %arg12[%add3A_69, %dma_wait3A_106] : memref<10240x128xf32, #tpu.memory_space<vmem_shared>> -> memref<80x128xf32, #tpu.memory_space<vmem_shared>>
      tpu.wait_dma2 semaphore(%run_scoped3A : memref<!tpu.dma_semaphore, #tpu.memory_space<semaphore_mem>>) src(%dma_wait3A_107 : memref<80x128xf32, #tpu.memory_space<vmem_shared>>) dst(%arg9 : memref<80x128xf32, #tpu.memory_space<vmem>>)
      tpu.yield
    }) : () -> ()
    "tpu.region"() ({
      %run_scoped3A = tpu.sem_alloc : memref<!tpu.dma_semaphore, #tpu.memory_space<semaphore_mem>>
      %dma_start3A = arith.constant 0 : i32
      %dma_start3A_102 = tpu.memref_slice %arg5[%arg0, %add3A_69, %dma_start3A] : memref<2x10240x128xf32, #tpu.memory_space<hbm>> -> memref<1x80x128xf32, #tpu.memory_space<hbm>>
      %dma_start3A_103 = tpu.memref_squeeze %dma_start3A_102 : memref<1x80x128xf32, #tpu.memory_space<hbm>> -> memref<80x128xf32, #tpu.memory_space<hbm>>
      %dma_start3A_104 = arith.constant 0 : i32
      %dma_start3A_105 = tpu.memref_slice %arg5[%arg0, %add3A_69, %dma_start3A_104] : memref<2x10240x128xf32, #tpu.memory_space<hbm>> -> memref<1x80x128xf32, #tpu.memory_space<hbm>>
      %dma_start3A_106 = tpu.memref_squeeze %dma_start3A_105 : memref<1x80x128xf32, #tpu.memory_space<hbm>> -> memref<80x128xf32, #tpu.memory_space<hbm>>
      tpu.enqueue_dma source(%arg9 : memref<80x128xf32, #tpu.memory_space<vmem>>) target(%dma_start3A_106 : memref<80x128xf32, #tpu.memory_space<hbm>>) target_semaphore(%run_scoped3A : memref<!tpu.dma_semaphore, #tpu.memory_space<semaphore_mem>>)
      %dma_wait3A = arith.constant 0 : i32
      %dma_wait3A_107 = tpu.memref_slice %arg5[%arg0, %add3A_69, %dma_wait3A] : memref<2x10240x128xf32, #tpu.memory_space<hbm>> -> memref<1x80x128xf32, #tpu.memory_space<hbm>>
      %dma_wait3A_108 = tpu.memref_squeeze %dma_wait3A_107 : memref<1x80x128xf32, #tpu.memory_space<hbm>> -> memref<80x128xf32, #tpu.memory_space<hbm>>
      %dma_wait3A_109 = arith.constant 0 : i32
      %dma_wait3A_110 = tpu.memref_slice %arg5[%arg0, %add3A_69, %dma_wait3A_109] : memref<2x10240x128xf32, #tpu.memory_space<hbm>> -> memref<1x80x128xf32, #tpu.memory_space<hbm>>
      %dma_wait3A_111 = tpu.memref_squeeze %dma_wait3A_110 : memref<1x80x128xf32, #tpu.memory_space<hbm>> -> memref<80x128xf32, #tpu.memory_space<hbm>>
      tpu.wait_dma2 semaphore(%run_scoped3A : memref<!tpu.dma_semaphore, #tpu.memory_space<semaphore_mem>>) src(%arg9 : memref<80x128xf32, #tpu.memory_space<vmem>>) dst(%dma_wait3A_111 : memref<80x128xf32, #tpu.memory_space<hbm>>)
      tpu.yield
    }) : () -> ()
    %mul3A_70 = arith.constant 640 : i32
    %mul3A_71 = arith.muli %arg1, %mul3A_70 : i32
    %add3A_72 = arith.constant 80 : i32
    %add3A_73 = arith.addi %mul3A_71, %add3A_72 : i32
    "tpu.region"() ({
      %run_scoped3A = tpu.sem_alloc : memref<!tpu.dma_semaphore, #tpu.memory_space<semaphore_mem>>
      %dma_start3A = arith.constant 0 : i32
      %dma_start3A_102 = tpu.memref_slice %arg12[%add3A_73, %dma_start3A] : memref<10240x128xf32, #tpu.memory_space<vmem_shared>> -> memref<80x128xf32, #tpu.memory_space<vmem_shared>>
      %dma_start3A_103 = arith.constant 0 : i32
      %dma_start3A_104 = tpu.memref_slice %arg12[%add3A_73, %dma_start3A_103] : memref<10240x128xf32, #tpu.memory_space<vmem_shared>> -> memref<80x128xf32, #tpu.memory_space<vmem_shared>>
      tpu.enqueue_dma source(%dma_start3A_104 : memref<80x128xf32, #tpu.memory_space<vmem_shared>>) target(%arg9 : memref<80x128xf32, #tpu.memory_space<vmem>>) target_semaphore(%run_scoped3A : memref<!tpu.dma_semaphore, #tpu.memory_space<semaphore_mem>>)
      %dma_wait3A = arith.constant 0 : i32
      %dma_wait3A_105 = tpu.memref_slice %arg12[%add3A_73, %dma_wait3A] : memref<10240x128xf32, #tpu.memory_space<vmem_shared>> -> memref<80x128xf32, #tpu.memory_space<vmem_shared>>
      %dma_wait3A_106 = arith.constant 0 : i32
      %dma_wait3A_107 = tpu.memref_slice %arg12[%add3A_73, %dma_wait3A_106] : memref<10240x128xf32, #tpu.memory_space<vmem_shared>> -> memref<80x128xf32, #tpu.memory_space<vmem_shared>>
      tpu.wait_dma2 semaphore(%run_scoped3A : memref<!tpu.dma_semaphore, #tpu.memory_space<semaphore_mem>>) src(%dma_wait3A_107 : memref<80x128xf32, #tpu.memory_space<vmem_shared>>) dst(%arg9 : memref<80x128xf32, #tpu.memory_space<vmem>>)
      tpu.yield
    }) : () -> ()
    "tpu.region"() ({
      %run_scoped3A = tpu.sem_alloc : memref<!tpu.dma_semaphore, #tpu.memory_space<semaphore_mem>>
      %dma_start3A = arith.constant 0 : i32
      %dma_start3A_102 = tpu.memref_slice %arg5[%arg0, %add3A_73, %dma_start3A] : memref<2x10240x128xf32, #tpu.memory_space<hbm>> -> memref<1x80x128xf32, #tpu.memory_space<hbm>>
      %dma_start3A_103 = tpu.memref_squeeze %dma_start3A_102 : memref<1x80x128xf32, #tpu.memory_space<hbm>> -> memref<80x128xf32, #tpu.memory_space<hbm>>
      %dma_start3A_104 = arith.constant 0 : i32
      %dma_start3A_105 = tpu.memref_slice %arg5[%arg0, %add3A_73, %dma_start3A_104] : memref<2x10240x128xf32, #tpu.memory_space<hbm>> -> memref<1x80x128xf32, #tpu.memory_space<hbm>>
      %dma_start3A_106 = tpu.memref_squeeze %dma_start3A_105 : memref<1x80x128xf32, #tpu.memory_space<hbm>> -> memref<80x128xf32, #tpu.memory_space<hbm>>
      tpu.enqueue_dma source(%arg9 : memref<80x128xf32, #tpu.memory_space<vmem>>) target(%dma_start3A_106 : memref<80x128xf32, #tpu.memory_space<hbm>>) target_semaphore(%run_scoped3A : memref<!tpu.dma_semaphore, #tpu.memory_space<semaphore_mem>>)
      %dma_wait3A = arith.constant 0 : i32
      %dma_wait3A_107 = tpu.memref_slice %arg5[%arg0, %add3A_73, %dma_wait3A] : memref<2x10240x128xf32, #tpu.memory_space<hbm>> -> memref<1x80x128xf32, #tpu.memory_space<hbm>>
      %dma_wait3A_108 = tpu.memref_squeeze %dma_wait3A_107 : memref<1x80x128xf32, #tpu.memory_space<hbm>> -> memref<80x128xf32, #tpu.memory_space<hbm>>
      %dma_wait3A_109 = arith.constant 0 : i32
      %dma_wait3A_110 = tpu.memref_slice %arg5[%arg0, %add3A_73, %dma_wait3A_109] : memref<2x10240x128xf32, #tpu.memory_space<hbm>> -> memref<1x80x128xf32, #tpu.memory_space<hbm>>
      %dma_wait3A_111 = tpu.memref_squeeze %dma_wait3A_110 : memref<1x80x128xf32, #tpu.memory_space<hbm>> -> memref<80x128xf32, #tpu.memory_space<hbm>>
      tpu.wait_dma2 semaphore(%run_scoped3A : memref<!tpu.dma_semaphore, #tpu.memory_space<semaphore_mem>>) src(%arg9 : memref<80x128xf32, #tpu.memory_space<vmem>>) dst(%dma_wait3A_111 : memref<80x128xf32, #tpu.memory_space<hbm>>)
      tpu.yield
    }) : () -> ()
    %mul3A_74 = arith.constant 640 : i32
    %mul3A_75 = arith.muli %arg1, %mul3A_74 : i32
    %add3A_76 = arith.constant 160 : i32
    %add3A_77 = arith.addi %mul3A_75, %add3A_76 : i32
    "tpu.region"() ({
      %run_scoped3A = tpu.sem_alloc : memref<!tpu.dma_semaphore, #tpu.memory_space<semaphore_mem>>
      %dma_start3A = arith.constant 0 : i32
      %dma_start3A_102 = tpu.memref_slice %arg12[%add3A_77, %dma_start3A] : memref<10240x128xf32, #tpu.memory_space<vmem_shared>> -> memref<80x128xf32, #tpu.memory_space<vmem_shared>>
      %dma_start3A_103 = arith.constant 0 : i32
      %dma_start3A_104 = tpu.memref_slice %arg12[%add3A_77, %dma_start3A_103] : memref<10240x128xf32, #tpu.memory_space<vmem_shared>> -> memref<80x128xf32, #tpu.memory_space<vmem_shared>>
      tpu.enqueue_dma source(%dma_start3A_104 : memref<80x128xf32, #tpu.memory_space<vmem_shared>>) target(%arg9 : memref<80x128xf32, #tpu.memory_space<vmem>>) target_semaphore(%run_scoped3A : memref<!tpu.dma_semaphore, #tpu.memory_space<semaphore_mem>>)
      %dma_wait3A = arith.constant 0 : i32
      %dma_wait3A_105 = tpu.memref_slice %arg12[%add3A_77, %dma_wait3A] : memref<10240x128xf32, #tpu.memory_space<vmem_shared>> -> memref<80x128xf32, #tpu.memory_space<vmem_shared>>
      %dma_wait3A_106 = arith.constant 0 : i32
      %dma_wait3A_107 = tpu.memref_slice %arg12[%add3A_77, %dma_wait3A_106] : memref<10240x128xf32, #tpu.memory_space<vmem_shared>> -> memref<80x128xf32, #tpu.memory_space<vmem_shared>>
      tpu.wait_dma2 semaphore(%run_scoped3A : memref<!tpu.dma_semaphore, #tpu.memory_space<semaphore_mem>>) src(%dma_wait3A_107 : memref<80x128xf32, #tpu.memory_space<vmem_shared>>) dst(%arg9 : memref<80x128xf32, #tpu.memory_space<vmem>>)
      tpu.yield
    }) : () -> ()
    "tpu.region"() ({
      %run_scoped3A = tpu.sem_alloc : memref<!tpu.dma_semaphore, #tpu.memory_space<semaphore_mem>>
      %dma_start3A = arith.constant 0 : i32
      %dma_start3A_102 = tpu.memref_slice %arg5[%arg0, %add3A_77, %dma_start3A] : memref<2x10240x128xf32, #tpu.memory_space<hbm>> -> memref<1x80x128xf32, #tpu.memory_space<hbm>>
      %dma_start3A_103 = tpu.memref_squeeze %dma_start3A_102 : memref<1x80x128xf32, #tpu.memory_space<hbm>> -> memref<80x128xf32, #tpu.memory_space<hbm>>
      %dma_start3A_104 = arith.constant 0 : i32
      %dma_start3A_105 = tpu.memref_slice %arg5[%arg0, %add3A_77, %dma_start3A_104] : memref<2x10240x128xf32, #tpu.memory_space<hbm>> -> memref<1x80x128xf32, #tpu.memory_space<hbm>>
      %dma_start3A_106 = tpu.memref_squeeze %dma_start3A_105 : memref<1x80x128xf32, #tpu.memory_space<hbm>> -> memref<80x128xf32, #tpu.memory_space<hbm>>
      tpu.enqueue_dma source(%arg9 : memref<80x128xf32, #tpu.memory_space<vmem>>) target(%dma_start3A_106 : memref<80x128xf32, #tpu.memory_space<hbm>>) target_semaphore(%run_scoped3A : memref<!tpu.dma_semaphore, #tpu.memory_space<semaphore_mem>>)
      %dma_wait3A = arith.constant 0 : i32
      %dma_wait3A_107 = tpu.memref_slice %arg5[%arg0, %add3A_77, %dma_wait3A] : memref<2x10240x128xf32, #tpu.memory_space<hbm>> -> memref<1x80x128xf32, #tpu.memory_space<hbm>>
      %dma_wait3A_108 = tpu.memref_squeeze %dma_wait3A_107 : memref<1x80x128xf32, #tpu.memory_space<hbm>> -> memref<80x128xf32, #tpu.memory_space<hbm>>
      %dma_wait3A_109 = arith.constant 0 : i32
      %dma_wait3A_110 = tpu.memref_slice %arg5[%arg0, %add3A_77, %dma_wait3A_109] : memref<2x10240x128xf32, #tpu.memory_space<hbm>> -> memref<1x80x128xf32, #tpu.memory_space<hbm>>
      %dma_wait3A_111 = tpu.memref_squeeze %dma_wait3A_110 : memref<1x80x128xf32, #tpu.memory_space<hbm>> -> memref<80x128xf32, #tpu.memory_space<hbm>>
      tpu.wait_dma2 semaphore(%run_scoped3A : memref<!tpu.dma_semaphore, #tpu.memory_space<semaphore_mem>>) src(%arg9 : memref<80x128xf32, #tpu.memory_space<vmem>>) dst(%dma_wait3A_111 : memref<80x128xf32, #tpu.memory_space<hbm>>)
      tpu.yield
    }) : () -> ()
    %mul3A_78 = arith.constant 640 : i32
    %mul3A_79 = arith.muli %arg1, %mul3A_78 : i32
    %add3A_80 = arith.constant 240 : i32
    %add3A_81 = arith.addi %mul3A_79, %add3A_80 : i32
    "tpu.region"() ({
      %run_scoped3A = tpu.sem_alloc : memref<!tpu.dma_semaphore, #tpu.memory_space<semaphore_mem>>
      %dma_start3A = arith.constant 0 : i32
      %dma_start3A_102 = tpu.memref_slice %arg12[%add3A_81, %dma_start3A] : memref<10240x128xf32, #tpu.memory_space<vmem_shared>> -> memref<80x128xf32, #tpu.memory_space<vmem_shared>>
      %dma_start3A_103 = arith.constant 0 : i32
      %dma_start3A_104 = tpu.memref_slice %arg12[%add3A_81, %dma_start3A_103] : memref<10240x128xf32, #tpu.memory_space<vmem_shared>> -> memref<80x128xf32, #tpu.memory_space<vmem_shared>>
      tpu.enqueue_dma source(%dma_start3A_104 : memref<80x128xf32, #tpu.memory_space<vmem_shared>>) target(%arg9 : memref<80x128xf32, #tpu.memory_space<vmem>>) target_semaphore(%run_scoped3A : memref<!tpu.dma_semaphore, #tpu.memory_space<semaphore_mem>>)
      %dma_wait3A = arith.constant 0 : i32
      %dma_wait3A_105 = tpu.memref_slice %arg12[%add3A_81, %dma_wait3A] : memref<10240x128xf32, #tpu.memory_space<vmem_shared>> -> memref<80x128xf32, #tpu.memory_space<vmem_shared>>
      %dma_wait3A_106 = arith.constant 0 : i32
      %dma_wait3A_107 = tpu.memref_slice %arg12[%add3A_81, %dma_wait3A_106] : memref<10240x128xf32, #tpu.memory_space<vmem_shared>> -> memref<80x128xf32, #tpu.memory_space<vmem_shared>>
      tpu.wait_dma2 semaphore(%run_scoped3A : memref<!tpu.dma_semaphore, #tpu.memory_space<semaphore_mem>>) src(%dma_wait3A_107 : memref<80x128xf32, #tpu.memory_space<vmem_shared>>) dst(%arg9 : memref<80x128xf32, #tpu.memory_space<vmem>>)
      tpu.yield
    }) : () -> ()
    "tpu.region"() ({
      %run_scoped3A = tpu.sem_alloc : memref<!tpu.dma_semaphore, #tpu.memory_space<semaphore_mem>>
      %dma_start3A = arith.constant 0 : i32
      %dma_start3A_102 = tpu.memref_slice %arg5[%arg0, %add3A_81, %dma_start3A] : memref<2x10240x128xf32, #tpu.memory_space<hbm>> -> memref<1x80x128xf32, #tpu.memory_space<hbm>>
      %dma_start3A_103 = tpu.memref_squeeze %dma_start3A_102 : memref<1x80x128xf32, #tpu.memory_space<hbm>> -> memref<80x128xf32, #tpu.memory_space<hbm>>
      %dma_start3A_104 = arith.constant 0 : i32
      %dma_start3A_105 = tpu.memref_slice %arg5[%arg0, %add3A_81, %dma_start3A_104] : memref<2x10240x128xf32, #tpu.memory_space<hbm>> -> memref<1x80x128xf32, #tpu.memory_space<hbm>>
      %dma_start3A_106 = tpu.memref_squeeze %dma_start3A_105 : memref<1x80x128xf32, #tpu.memory_space<hbm>> -> memref<80x128xf32, #tpu.memory_space<hbm>>
      tpu.enqueue_dma source(%arg9 : memref<80x128xf32, #tpu.memory_space<vmem>>) target(%dma_start3A_106 : memref<80x128xf32, #tpu.memory_space<hbm>>) target_semaphore(%run_scoped3A : memref<!tpu.dma_semaphore, #tpu.memory_space<semaphore_mem>>)
      %dma_wait3A = arith.constant 0 : i32
      %dma_wait3A_107 = tpu.memref_slice %arg5[%arg0, %add3A_81, %dma_wait3A] : memref<2x10240x128xf32, #tpu.memory_space<hbm>> -> memref<1x80x128xf32, #tpu.memory_space<hbm>>
      %dma_wait3A_108 = tpu.memref_squeeze %dma_wait3A_107 : memref<1x80x128xf32, #tpu.memory_space<hbm>> -> memref<80x128xf32, #tpu.memory_space<hbm>>
      %dma_wait3A_109 = arith.constant 0 : i32
      %dma_wait3A_110 = tpu.memref_slice %arg5[%arg0, %add3A_81, %dma_wait3A_109] : memref<2x10240x128xf32, #tpu.memory_space<hbm>> -> memref<1x80x128xf32, #tpu.memory_space<hbm>>
      %dma_wait3A_111 = tpu.memref_squeeze %dma_wait3A_110 : memref<1x80x128xf32, #tpu.memory_space<hbm>> -> memref<80x128xf32, #tpu.memory_space<hbm>>
      tpu.wait_dma2 semaphore(%run_scoped3A : memref<!tpu.dma_semaphore, #tpu.memory_space<semaphore_mem>>) src(%arg9 : memref<80x128xf32, #tpu.memory_space<vmem>>) dst(%dma_wait3A_111 : memref<80x128xf32, #tpu.memory_space<hbm>>)
      tpu.yield
    }) : () -> ()
    %mul3A_82 = arith.constant 640 : i32
    %mul3A_83 = arith.muli %arg1, %mul3A_82 : i32
    %add3A_84 = arith.constant 320 : i32
    %add3A_85 = arith.addi %mul3A_83, %add3A_84 : i32
    "tpu.region"() ({
      %run_scoped3A = tpu.sem_alloc : memref<!tpu.dma_semaphore, #tpu.memory_space<semaphore_mem>>
      %dma_start3A = arith.constant 0 : i32
      %dma_start3A_102 = tpu.memref_slice %arg12[%add3A_85, %dma_start3A] : memref<10240x128xf32, #tpu.memory_space<vmem_shared>> -> memref<80x128xf32, #tpu.memory_space<vmem_shared>>
      %dma_start3A_103 = arith.constant 0 : i32
      %dma_start3A_104 = tpu.memref_slice %arg12[%add3A_85, %dma_start3A_103] : memref<10240x128xf32, #tpu.memory_space<vmem_shared>> -> memref<80x128xf32, #tpu.memory_space<vmem_shared>>
      tpu.enqueue_dma source(%dma_start3A_104 : memref<80x128xf32, #tpu.memory_space<vmem_shared>>) target(%arg9 : memref<80x128xf32, #tpu.memory_space<vmem>>) target_semaphore(%run_scoped3A : memref<!tpu.dma_semaphore, #tpu.memory_space<semaphore_mem>>)
      %dma_wait3A = arith.constant 0 : i32
      %dma_wait3A_105 = tpu.memref_slice %arg12[%add3A_85, %dma_wait3A] : memref<10240x128xf32, #tpu.memory_space<vmem_shared>> -> memref<80x128xf32, #tpu.memory_space<vmem_shared>>
      %dma_wait3A_106 = arith.constant 0 : i32
      %dma_wait3A_107 = tpu.memref_slice %arg12[%add3A_85, %dma_wait3A_106] : memref<10240x128xf32, #tpu.memory_space<vmem_shared>> -> memref<80x128xf32, #tpu.memory_space<vmem_shared>>
      tpu.wait_dma2 semaphore(%run_scoped3A : memref<!tpu.dma_semaphore, #tpu.memory_space<semaphore_mem>>) src(%dma_wait3A_107 : memref<80x128xf32, #tpu.memory_space<vmem_shared>>) dst(%arg9 : memref<80x128xf32, #tpu.memory_space<vmem>>)
      tpu.yield
    }) : () -> ()
    "tpu.region"() ({
      %run_scoped3A = tpu.sem_alloc : memref<!tpu.dma_semaphore, #tpu.memory_space<semaphore_mem>>
      %dma_start3A = arith.constant 0 : i32
      %dma_start3A_102 = tpu.memref_slice %arg5[%arg0, %add3A_85, %dma_start3A] : memref<2x10240x128xf32, #tpu.memory_space<hbm>> -> memref<1x80x128xf32, #tpu.memory_space<hbm>>
      %dma_start3A_103 = tpu.memref_squeeze %dma_start3A_102 : memref<1x80x128xf32, #tpu.memory_space<hbm>> -> memref<80x128xf32, #tpu.memory_space<hbm>>
      %dma_start3A_104 = arith.constant 0 : i32
      %dma_start3A_105 = tpu.memref_slice %arg5[%arg0, %add3A_85, %dma_start3A_104] : memref<2x10240x128xf32, #tpu.memory_space<hbm>> -> memref<1x80x128xf32, #tpu.memory_space<hbm>>
      %dma_start3A_106 = tpu.memref_squeeze %dma_start3A_105 : memref<1x80x128xf32, #tpu.memory_space<hbm>> -> memref<80x128xf32, #tpu.memory_space<hbm>>
      tpu.enqueue_dma source(%arg9 : memref<80x128xf32, #tpu.memory_space<vmem>>) target(%dma_start3A_106 : memref<80x128xf32, #tpu.memory_space<hbm>>) target_semaphore(%run_scoped3A : memref<!tpu.dma_semaphore, #tpu.memory_space<semaphore_mem>>)
      %dma_wait3A = arith.constant 0 : i32
      %dma_wait3A_107 = tpu.memref_slice %arg5[%arg0, %add3A_85, %dma_wait3A] : memref<2x10240x128xf32, #tpu.memory_space<hbm>> -> memref<1x80x128xf32, #tpu.memory_space<hbm>>
      %dma_wait3A_108 = tpu.memref_squeeze %dma_wait3A_107 : memref<1x80x128xf32, #tpu.memory_space<hbm>> -> memref<80x128xf32, #tpu.memory_space<hbm>>
      %dma_wait3A_109 = arith.constant 0 : i32
      %dma_wait3A_110 = tpu.memref_slice %arg5[%arg0, %add3A_85, %dma_wait3A_109] : memref<2x10240x128xf32, #tpu.memory_space<hbm>> -> memref<1x80x128xf32, #tpu.memory_space<hbm>>
      %dma_wait3A_111 = tpu.memref_squeeze %dma_wait3A_110 : memref<1x80x128xf32, #tpu.memory_space<hbm>> -> memref<80x128xf32, #tpu.memory_space<hbm>>
      tpu.wait_dma2 semaphore(%run_scoped3A : memref<!tpu.dma_semaphore, #tpu.memory_space<semaphore_mem>>) src(%arg9 : memref<80x128xf32, #tpu.memory_space<vmem>>) dst(%dma_wait3A_111 : memref<80x128xf32, #tpu.memory_space<hbm>>)
      tpu.yield
    }) : () -> ()
    %mul3A_86 = arith.constant 640 : i32
    %mul3A_87 = arith.muli %arg1, %mul3A_86 : i32
    %add3A_88 = arith.constant 400 : i32
    %add3A_89 = arith.addi %mul3A_87, %add3A_88 : i32
    "tpu.region"() ({
      %run_scoped3A = tpu.sem_alloc : memref<!tpu.dma_semaphore, #tpu.memory_space<semaphore_mem>>
      %dma_start3A = arith.constant 0 : i32
      %dma_start3A_102 = tpu.memref_slice %arg12[%add3A_89, %dma_start3A] : memref<10240x128xf32, #tpu.memory_space<vmem_shared>> -> memref<80x128xf32, #tpu.memory_space<vmem_shared>>
      %dma_start3A_103 = arith.constant 0 : i32
      %dma_start3A_104 = tpu.memref_slice %arg12[%add3A_89, %dma_start3A_103] : memref<10240x128xf32, #tpu.memory_space<vmem_shared>> -> memref<80x128xf32, #tpu.memory_space<vmem_shared>>
      tpu.enqueue_dma source(%dma_start3A_104 : memref<80x128xf32, #tpu.memory_space<vmem_shared>>) target(%arg9 : memref<80x128xf32, #tpu.memory_space<vmem>>) target_semaphore(%run_scoped3A : memref<!tpu.dma_semaphore, #tpu.memory_space<semaphore_mem>>)
      %dma_wait3A = arith.constant 0 : i32
      %dma_wait3A_105 = tpu.memref_slice %arg12[%add3A_89, %dma_wait3A] : memref<10240x128xf32, #tpu.memory_space<vmem_shared>> -> memref<80x128xf32, #tpu.memory_space<vmem_shared>>
      %dma_wait3A_106 = arith.constant 0 : i32
      %dma_wait3A_107 = tpu.memref_slice %arg12[%add3A_89, %dma_wait3A_106] : memref<10240x128xf32, #tpu.memory_space<vmem_shared>> -> memref<80x128xf32, #tpu.memory_space<vmem_shared>>
      tpu.wait_dma2 semaphore(%run_scoped3A : memref<!tpu.dma_semaphore, #tpu.memory_space<semaphore_mem>>) src(%dma_wait3A_107 : memref<80x128xf32, #tpu.memory_space<vmem_shared>>) dst(%arg9 : memref<80x128xf32, #tpu.memory_space<vmem>>)
      tpu.yield
    }) : () -> ()
    "tpu.region"() ({
      %run_scoped3A = tpu.sem_alloc : memref<!tpu.dma_semaphore, #tpu.memory_space<semaphore_mem>>
      %dma_start3A = arith.constant 0 : i32
      %dma_start3A_102 = tpu.memref_slice %arg5[%arg0, %add3A_89, %dma_start3A] : memref<2x10240x128xf32, #tpu.memory_space<hbm>> -> memref<1x80x128xf32, #tpu.memory_space<hbm>>
      %dma_start3A_103 = tpu.memref_squeeze %dma_start3A_102 : memref<1x80x128xf32, #tpu.memory_space<hbm>> -> memref<80x128xf32, #tpu.memory_space<hbm>>
      %dma_start3A_104 = arith.constant 0 : i32
      %dma_start3A_105 = tpu.memref_slice %arg5[%arg0, %add3A_89, %dma_start3A_104] : memref<2x10240x128xf32, #tpu.memory_space<hbm>> -> memref<1x80x128xf32, #tpu.memory_space<hbm>>
      %dma_start3A_106 = tpu.memref_squeeze %dma_start3A_105 : memref<1x80x128xf32, #tpu.memory_space<hbm>> -> memref<80x128xf32, #tpu.memory_space<hbm>>
      tpu.enqueue_dma source(%arg9 : memref<80x128xf32, #tpu.memory_space<vmem>>) target(%dma_start3A_106 : memref<80x128xf32, #tpu.memory_space<hbm>>) target_semaphore(%run_scoped3A : memref<!tpu.dma_semaphore, #tpu.memory_space<semaphore_mem>>)
      %dma_wait3A = arith.constant 0 : i32
      %dma_wait3A_107 = tpu.memref_slice %arg5[%arg0, %add3A_89, %dma_wait3A] : memref<2x10240x128xf32, #tpu.memory_space<hbm>> -> memref<1x80x128xf32, #tpu.memory_space<hbm>>
      %dma_wait3A_108 = tpu.memref_squeeze %dma_wait3A_107 : memref<1x80x128xf32, #tpu.memory_space<hbm>> -> memref<80x128xf32, #tpu.memory_space<hbm>>
      %dma_wait3A_109 = arith.constant 0 : i32
      %dma_wait3A_110 = tpu.memref_slice %arg5[%arg0, %add3A_89, %dma_wait3A_109] : memref<2x10240x128xf32, #tpu.memory_space<hbm>> -> memref<1x80x128xf32, #tpu.memory_space<hbm>>
      %dma_wait3A_111 = tpu.memref_squeeze %dma_wait3A_110 : memref<1x80x128xf32, #tpu.memory_space<hbm>> -> memref<80x128xf32, #tpu.memory_space<hbm>>
      tpu.wait_dma2 semaphore(%run_scoped3A : memref<!tpu.dma_semaphore, #tpu.memory_space<semaphore_mem>>) src(%arg9 : memref<80x128xf32, #tpu.memory_space<vmem>>) dst(%dma_wait3A_111 : memref<80x128xf32, #tpu.memory_space<hbm>>)
      tpu.yield
    }) : () -> ()
    %mul3A_90 = arith.constant 640 : i32
    %mul3A_91 = arith.muli %arg1, %mul3A_90 : i32
    %add3A_92 = arith.constant 480 : i32
    %add3A_93 = arith.addi %mul3A_91, %add3A_92 : i32
    "tpu.region"() ({
      %run_scoped3A = tpu.sem_alloc : memref<!tpu.dma_semaphore, #tpu.memory_space<semaphore_mem>>
      %dma_start3A = arith.constant 0 : i32
      %dma_start3A_102 = tpu.memref_slice %arg12[%add3A_93, %dma_start3A] : memref<10240x128xf32, #tpu.memory_space<vmem_shared>> -> memref<80x128xf32, #tpu.memory_space<vmem_shared>>
      %dma_start3A_103 = arith.constant 0 : i32
      %dma_start3A_104 = tpu.memref_slice %arg12[%add3A_93, %dma_start3A_103] : memref<10240x128xf32, #tpu.memory_space<vmem_shared>> -> memref<80x128xf32, #tpu.memory_space<vmem_shared>>
      tpu.enqueue_dma source(%dma_start3A_104 : memref<80x128xf32, #tpu.memory_space<vmem_shared>>) target(%arg9 : memref<80x128xf32, #tpu.memory_space<vmem>>) target_semaphore(%run_scoped3A : memref<!tpu.dma_semaphore, #tpu.memory_space<semaphore_mem>>)
      %dma_wait3A = arith.constant 0 : i32
      %dma_wait3A_105 = tpu.memref_slice %arg12[%add3A_93, %dma_wait3A] : memref<10240x128xf32, #tpu.memory_space<vmem_shared>> -> memref<80x128xf32, #tpu.memory_space<vmem_shared>>
      %dma_wait3A_106 = arith.constant 0 : i32
      %dma_wait3A_107 = tpu.memref_slice %arg12[%add3A_93, %dma_wait3A_106] : memref<10240x128xf32, #tpu.memory_space<vmem_shared>> -> memref<80x128xf32, #tpu.memory_space<vmem_shared>>
      tpu.wait_dma2 semaphore(%run_scoped3A : memref<!tpu.dma_semaphore, #tpu.memory_space<semaphore_mem>>) src(%dma_wait3A_107 : memref<80x128xf32, #tpu.memory_space<vmem_shared>>) dst(%arg9 : memref<80x128xf32, #tpu.memory_space<vmem>>)
      tpu.yield
    }) : () -> ()
    "tpu.region"() ({
      %run_scoped3A = tpu.sem_alloc : memref<!tpu.dma_semaphore, #tpu.memory_space<semaphore_mem>>
      %dma_start3A = arith.constant 0 : i32
      %dma_start3A_102 = tpu.memref_slice %arg5[%arg0, %add3A_93, %dma_start3A] : memref<2x10240x128xf32, #tpu.memory_space<hbm>> -> memref<1x80x128xf32, #tpu.memory_space<hbm>>
      %dma_start3A_103 = tpu.memref_squeeze %dma_start3A_102 : memref<1x80x128xf32, #tpu.memory_space<hbm>> -> memref<80x128xf32, #tpu.memory_space<hbm>>
      %dma_start3A_104 = arith.constant 0 : i32
      %dma_start3A_105 = tpu.memref_slice %arg5[%arg0, %add3A_93, %dma_start3A_104] : memref<2x10240x128xf32, #tpu.memory_space<hbm>> -> memref<1x80x128xf32, #tpu.memory_space<hbm>>
      %dma_start3A_106 = tpu.memref_squeeze %dma_start3A_105 : memref<1x80x128xf32, #tpu.memory_space<hbm>> -> memref<80x128xf32, #tpu.memory_space<hbm>>
      tpu.enqueue_dma source(%arg9 : memref<80x128xf32, #tpu.memory_space<vmem>>) target(%dma_start3A_106 : memref<80x128xf32, #tpu.memory_space<hbm>>) target_semaphore(%run_scoped3A : memref<!tpu.dma_semaphore, #tpu.memory_space<semaphore_mem>>)
      %dma_wait3A = arith.constant 0 : i32
      %dma_wait3A_107 = tpu.memref_slice %arg5[%arg0, %add3A_93, %dma_wait3A] : memref<2x10240x128xf32, #tpu.memory_space<hbm>> -> memref<1x80x128xf32, #tpu.memory_space<hbm>>
      %dma_wait3A_108 = tpu.memref_squeeze %dma_wait3A_107 : memref<1x80x128xf32, #tpu.memory_space<hbm>> -> memref<80x128xf32, #tpu.memory_space<hbm>>
      %dma_wait3A_109 = arith.constant 0 : i32
      %dma_wait3A_110 = tpu.memref_slice %arg5[%arg0, %add3A_93, %dma_wait3A_109] : memref<2x10240x128xf32, #tpu.memory_space<hbm>> -> memref<1x80x128xf32, #tpu.memory_space<hbm>>
      %dma_wait3A_111 = tpu.memref_squeeze %dma_wait3A_110 : memref<1x80x128xf32, #tpu.memory_space<hbm>> -> memref<80x128xf32, #tpu.memory_space<hbm>>
      tpu.wait_dma2 semaphore(%run_scoped3A : memref<!tpu.dma_semaphore, #tpu.memory_space<semaphore_mem>>) src(%arg9 : memref<80x128xf32, #tpu.memory_space<vmem>>) dst(%dma_wait3A_111 : memref<80x128xf32, #tpu.memory_space<hbm>>)
      tpu.yield
    }) : () -> ()
    %mul3A_94 = arith.constant 640 : i32
    %mul3A_95 = arith.muli %arg1, %mul3A_94 : i32
    %add3A_96 = arith.constant 560 : i32
    %add3A_97 = arith.addi %mul3A_95, %add3A_96 : i32
    "tpu.region"() ({
      %run_scoped3A = tpu.sem_alloc : memref<!tpu.dma_semaphore, #tpu.memory_space<semaphore_mem>>
      %dma_start3A = arith.constant 0 : i32
      %dma_start3A_102 = tpu.memref_slice %arg12[%add3A_97, %dma_start3A] : memref<10240x128xf32, #tpu.memory_space<vmem_shared>> -> memref<80x128xf32, #tpu.memory_space<vmem_shared>>
      %dma_start3A_103 = arith.constant 0 : i32
      %dma_start3A_104 = tpu.memref_slice %arg12[%add3A_97, %dma_start3A_103] : memref<10240x128xf32, #tpu.memory_space<vmem_shared>> -> memref<80x128xf32, #tpu.memory_space<vmem_shared>>
      tpu.enqueue_dma source(%dma_start3A_104 : memref<80x128xf32, #tpu.memory_space<vmem_shared>>) target(%arg9 : memref<80x128xf32, #tpu.memory_space<vmem>>) target_semaphore(%run_scoped3A : memref<!tpu.dma_semaphore, #tpu.memory_space<semaphore_mem>>)
      %dma_wait3A = arith.constant 0 : i32
      %dma_wait3A_105 = tpu.memref_slice %arg12[%add3A_97, %dma_wait3A] : memref<10240x128xf32, #tpu.memory_space<vmem_shared>> -> memref<80x128xf32, #tpu.memory_space<vmem_shared>>
      %dma_wait3A_106 = arith.constant 0 : i32
      %dma_wait3A_107 = tpu.memref_slice %arg12[%add3A_97, %dma_wait3A_106] : memref<10240x128xf32, #tpu.memory_space<vmem_shared>> -> memref<80x128xf32, #tpu.memory_space<vmem_shared>>
      tpu.wait_dma2 semaphore(%run_scoped3A : memref<!tpu.dma_semaphore, #tpu.memory_space<semaphore_mem>>) src(%dma_wait3A_107 : memref<80x128xf32, #tpu.memory_space<vmem_shared>>) dst(%arg9 : memref<80x128xf32, #tpu.memory_space<vmem>>)
      tpu.yield
    }) : () -> ()
    "tpu.region"() ({
      %run_scoped3A = tpu.sem_alloc : memref<!tpu.dma_semaphore, #tpu.memory_space<semaphore_mem>>
      %dma_start3A = arith.constant 0 : i32
      %dma_start3A_102 = tpu.memref_slice %arg5[%arg0, %add3A_97, %dma_start3A] : memref<2x10240x128xf32, #tpu.memory_space<hbm>> -> memref<1x80x128xf32, #tpu.memory_space<hbm>>
      %dma_start3A_103 = tpu.memref_squeeze %dma_start3A_102 : memref<1x80x128xf32, #tpu.memory_space<hbm>> -> memref<80x128xf32, #tpu.memory_space<hbm>>
      %dma_start3A_104 = arith.constant 0 : i32
      %dma_start3A_105 = tpu.memref_slice %arg5[%arg0, %add3A_97, %dma_start3A_104] : memref<2x10240x128xf32, #tpu.memory_space<hbm>> -> memref<1x80x128xf32, #tpu.memory_space<hbm>>
      %dma_start3A_106 = tpu.memref_squeeze %dma_start3A_105 : memref<1x80x128xf32, #tpu.memory_space<hbm>> -> memref<80x128xf32, #tpu.memory_space<hbm>>
      tpu.enqueue_dma source(%arg9 : memref<80x128xf32, #tpu.memory_space<vmem>>) target(%dma_start3A_106 : memref<80x128xf32, #tpu.memory_space<hbm>>) target_semaphore(%run_scoped3A : memref<!tpu.dma_semaphore, #tpu.memory_space<semaphore_mem>>)
      %dma_wait3A = arith.constant 0 : i32
      %dma_wait3A_107 = tpu.memref_slice %arg5[%arg0, %add3A_97, %dma_wait3A] : memref<2x10240x128xf32, #tpu.memory_space<hbm>> -> memref<1x80x128xf32, #tpu.memory_space<hbm>>
      %dma_wait3A_108 = tpu.memref_squeeze %dma_wait3A_107 : memref<1x80x128xf32, #tpu.memory_space<hbm>> -> memref<80x128xf32, #tpu.memory_space<hbm>>
      %dma_wait3A_109 = arith.constant 0 : i32
      %dma_wait3A_110 = tpu.memref_slice %arg5[%arg0, %add3A_97, %dma_wait3A_109] : memref<2x10240x128xf32, #tpu.memory_space<hbm>> -> memref<1x80x128xf32, #tpu.memory_space<hbm>>
      %dma_wait3A_111 = tpu.memref_squeeze %dma_wait3A_110 : memref<1x80x128xf32, #tpu.memory_space<hbm>> -> memref<80x128xf32, #tpu.memory_space<hbm>>
      tpu.wait_dma2 semaphore(%run_scoped3A : memref<!tpu.dma_semaphore, #tpu.memory_space<semaphore_mem>>) src(%arg9 : memref<80x128xf32, #tpu.memory_space<vmem>>) dst(%dma_wait3A_111 : memref<80x128xf32, #tpu.memory_space<hbm>>)
      tpu.yield
    }) : () -> ()
    %mul3A_98 = arith.constant 640 : i32
    %mul3A_99 = arith.muli %arg1, %mul3A_98 : i32
    "tpu.region"() ({
      %run_scoped3A = tpu.sem_alloc : memref<!tpu.dma_semaphore, #tpu.memory_space<semaphore_mem>>
      %dma_start3A = tpu.memref_slice %arg13[%mul3A_99] : memref<10240xf32, #tpu.memory_space<vmem_shared>> -> memref<640xf32, #tpu.memory_space<vmem_shared>>
      %dma_start3A_102 = tpu.memref_slice %arg13[%mul3A_99] : memref<10240xf32, #tpu.memory_space<vmem_shared>> -> memref<640xf32, #tpu.memory_space<vmem_shared>>
      tpu.enqueue_dma source(%dma_start3A_102 : memref<640xf32, #tpu.memory_space<vmem_shared>>) target(%arg11 : memref<640xf32, #tpu.memory_space<vmem>>) target_semaphore(%run_scoped3A : memref<!tpu.dma_semaphore, #tpu.memory_space<semaphore_mem>>)
      %dma_wait3A = tpu.memref_slice %arg13[%mul3A_99] : memref<10240xf32, #tpu.memory_space<vmem_shared>> -> memref<640xf32, #tpu.memory_space<vmem_shared>>
      %dma_wait3A_103 = tpu.memref_slice %arg13[%mul3A_99] : memref<10240xf32, #tpu.memory_space<vmem_shared>> -> memref<640xf32, #tpu.memory_space<vmem_shared>>
      tpu.wait_dma2 semaphore(%run_scoped3A : memref<!tpu.dma_semaphore, #tpu.memory_space<semaphore_mem>>) src(%dma_wait3A_103 : memref<640xf32, #tpu.memory_space<vmem_shared>>) dst(%arg11 : memref<640xf32, #tpu.memory_space<vmem>>)
      tpu.yield
    }) : () -> ()
    %mul3A_100 = arith.constant 640 : i32
    %mul3A_101 = arith.muli %arg1, %mul3A_100 : i32
    "tpu.region"() ({
      %run_scoped3A = tpu.sem_alloc : memref<!tpu.dma_semaphore, #tpu.memory_space<semaphore_mem>>
      %dma_start3A = tpu.memref_slice %arg6[%arg0, %mul3A_101] : memref<2x10240xf32, #tpu.memory_space<hbm>> -> memref<1x640xf32, #tpu.memory_space<hbm>>
      %dma_start3A_102 = tpu.memref_squeeze %dma_start3A : memref<1x640xf32, #tpu.memory_space<hbm>> -> memref<640xf32, #tpu.memory_space<hbm>>
      %dma_start3A_103 = tpu.memref_slice %arg6[%arg0, %mul3A_101] : memref<2x10240xf32, #tpu.memory_space<hbm>> -> memref<1x640xf32, #tpu.memory_space<hbm>>
      %dma_start3A_104 = tpu.memref_squeeze %dma_start3A_103 : memref<1x640xf32, #tpu.memory_space<hbm>> -> memref<640xf32, #tpu.memory_space<hbm>>
      tpu.enqueue_dma source(%arg11 : memref<640xf32, #tpu.memory_space<vmem>>) target(%dma_start3A_104 : memref<640xf32, #tpu.memory_space<hbm>>) target_semaphore(%run_scoped3A : memref<!tpu.dma_semaphore, #tpu.memory_space<semaphore_mem>>)
      %dma_wait3A = tpu.memref_slice %arg6[%arg0, %mul3A_101] : memref<2x10240xf32, #tpu.memory_space<hbm>> -> memref<1x640xf32, #tpu.memory_space<hbm>>
      %dma_wait3A_105 = tpu.memref_squeeze %dma_wait3A : memref<1x640xf32, #tpu.memory_space<hbm>> -> memref<640xf32, #tpu.memory_space<hbm>>
      %dma_wait3A_106 = tpu.memref_slice %arg6[%arg0, %mul3A_101] : memref<2x10240xf32, #tpu.memory_space<hbm>> -> memref<1x640xf32, #tpu.memory_space<hbm>>
      %dma_wait3A_107 = tpu.memref_squeeze %dma_wait3A_106 : memref<1x640xf32, #tpu.memory_space<hbm>> -> memref<640xf32, #tpu.memory_space<hbm>>
      tpu.wait_dma2 semaphore(%run_scoped3A : memref<!tpu.dma_semaphore, #tpu.memory_space<semaphore_mem>>) src(%arg11 : memref<640xf32, #tpu.memory_space<vmem>>) dst(%dma_wait3A_107 : memref<640xf32, #tpu.memory_space<hbm>>)
      tpu.yield
    }) : () -> ()
    return
  }
}

module attributes {stable_mosaic.version = 14 : i64} {
  func.func @_phase2_body(%arg0: memref<10000x128xf32, #tpu.memory_space<vmem>>, %arg1: memref<10000x128xf32, #tpu.memory_space<vmem>>, %arg2: memref<10000x128xf32, #tpu.memory_space<vmem>>, %arg3: memref<2x10000xf32, #tpu.memory_space<vmem>>, %arg4: memref<3x128xf32, #tpu.memory_space<vmem>>, %arg5: memref<1x10000xf32, #tpu.memory_space<vmem>>, %arg6: memref<1x10000xf32, #tpu.memory_space<vmem>>, %arg7: memref<1x10000xf32, #tpu.memory_space<vmem>>) attributes {dimension_semantics = [], scalar_prefetch = 0 : i64, scratch_operands = 0 : i64, tpu.core_type = #tpu.core_type<tc>} {
    %get3A = arith.constant 0 : index
    %get3A_0 = arith.constant 0 : index
    %get3A_1 = vector.load %arg0[%get3A, %get3A_0] : memref<10000x128xf32, #tpu.memory_space<vmem>>, vector<10000x128xf32>
    %get3A_2 = arith.constant 0 : index
    %get3A_3 = arith.constant 0 : index
    %get3A_4 = vector.load %arg1[%get3A_2, %get3A_3] : memref<10000x128xf32, #tpu.memory_space<vmem>>, vector<10000x128xf32>
    %get3A_5 = arith.constant 0 : index
    %get3A_6 = arith.constant 0 : index
    %get3A_7 = vector.load %arg2[%get3A_5, %get3A_6] : memref<10000x128xf32, #tpu.memory_space<vmem>>, vector<10000x128xf32>
    %add3A = arith.addf %get3A_4, %get3A_7 : vector<10000x128xf32>
    %get3A_8 = arith.constant 0 : index
    %get3A_9 = arith.constant 0 : index
    %get3A_10 = vector.load %arg3[%get3A_8, %get3A_9] : memref<2x10000xf32, #tpu.memory_space<vmem>>, vector<1x10000xf32>
    %get3A_11 = vector.shape_cast %get3A_10 : vector<1x10000xf32> to vector<10000xf32>
    %get3A_12 = arith.constant 1 : index
    %get3A_13 = arith.constant 0 : index
    %get3A_14 = vector.load %arg3[%get3A_12, %get3A_13] : memref<2x10000xf32, #tpu.memory_space<vmem>>, vector<1x10000xf32>
    %get3A_15 = vector.shape_cast %get3A_14 : vector<1x10000xf32> to vector<10000xf32>
    %add3A_16 = arith.addf %get3A_11, %get3A_15 : vector<10000xf32>
    %max3A = arith.constant 1.000000e+00 : f32
    %max3A_17 = vector.broadcast %max3A : f32 to vector<10000xf32>
    %max3A_18 = arith.maximumf %add3A_16, %max3A_17 : vector<10000xf32>
    %div3A = arith.constant 1.000000e+00 : f32
    %div3A_19 = vector.broadcast %div3A : f32 to vector<10000xf32>
    %div3A_20 = arith.divf %div3A_19, %max3A_18 : vector<10000xf32>
    %get3A_21 = arith.constant 0 : index
    %get3A_22 = arith.constant 0 : index
    %get3A_23 = vector.load %arg4[%get3A_21, %get3A_22] : memref<3x128xf32, #tpu.memory_space<vmem>>, vector<1x128xf32>
    %get3A_24 = arith.constant 1 : index
    %get3A_25 = arith.constant 0 : index
    %get3A_26 = vector.load %arg4[%get3A_24, %get3A_25] : memref<3x128xf32, #tpu.memory_space<vmem>>, vector<1x128xf32>
    %get3A_27 = arith.constant 2 : index
    %get3A_28 = arith.constant 0 : index
    %get3A_29 = vector.load %arg4[%get3A_27, %get3A_28] : memref<3x128xf32, #tpu.memory_space<vmem>>, vector<1x128xf32>
    %broadcast_in_dim3A = vector.shape_cast %div3A_20 : vector<10000xf32> to vector<10000x1xf32>
    %mul3A = vector.broadcast %broadcast_in_dim3A : vector<10000x1xf32> to vector<10000x128xf32>
    %mul3A_30 = arith.mulf %add3A, %mul3A : vector<10000x128xf32>
    %sub3A = arith.subf %get3A_1, %mul3A_30 : vector<10000x128xf32>
    %abs3A = math.absf %sub3A : vector<10000x128xf32>
    %mul3A_31 = vector.broadcast %get3A_26 : vector<1x128xf32> to vector<10000x128xf32>
    %mul3A_32 = arith.mulf %abs3A, %mul3A_31 : vector<10000x128xf32>
    %reduce_sum3A = arith.constant dense<0.000000e+00> : vector<10000xf32>
    %reduce_sum3A_33 = vector.multi_reduction <add>, %mul3A_32, %reduce_sum3A [1] : vector<10000x128xf32> to vector<10000xf32>
    %swap3A = arith.constant 0 : index
    %swap3A_34 = arith.constant 0 : index
    %swap3A_35 = vector.load %arg5[%swap3A, %swap3A_34] : memref<1x10000xf32, #tpu.memory_space<vmem>>, vector<1x10000xf32>
    %swap3A_36 = vector.shape_cast %swap3A_35 : vector<1x10000xf32> to vector<10000xf32>
    %swap3A_37 = vector.shape_cast %reduce_sum3A_33 : vector<10000xf32> to vector<1x10000xf32>
    tpu.vector_store %arg5[%swap3A, %swap3A_34], %swap3A_37 {strides = array<i32>} : memref<1x10000xf32, #tpu.memory_space<vmem>>, vector<1x10000xf32>,
    %mul3A_38 = arith.mulf %add3A, %get3A_1 : vector<10000x128xf32>
    %mul3A_39 = vector.broadcast %get3A_23 : vector<1x128xf32> to vector<10000x128xf32>
    %mul3A_40 = arith.mulf %mul3A_38, %mul3A_39 : vector<10000x128xf32>
    %reduce_sum3A_41 = arith.constant dense<0.000000e+00> : vector<10000xf32>
    %reduce_sum3A_42 = vector.multi_reduction <add>, %mul3A_40, %reduce_sum3A_41 [1] : vector<10000x128xf32> to vector<10000xf32>
    %mul3A_43 = arith.mulf %div3A_20, %reduce_sum3A_42 : vector<10000xf32>
    %mul3A_44 = vector.broadcast %get3A_29 : vector<1x128xf32> to vector<10000x128xf32>
    %mul3A_45 = arith.mulf %get3A_1, %mul3A_44 : vector<10000x128xf32>
    %reduce_sum3A_46 = arith.constant dense<0.000000e+00> : vector<10000xf32>
    %reduce_sum3A_47 = vector.multi_reduction <add>, %mul3A_45, %reduce_sum3A_46 [1] : vector<10000x128xf32> to vector<10000xf32>
    %add3A_48 = arith.addf %mul3A_43, %reduce_sum3A_47 : vector<10000xf32>
    %swap3A_49 = arith.constant 0 : index
    %swap3A_50 = arith.constant 0 : index
    %swap3A_51 = vector.load %arg6[%swap3A_49, %swap3A_50] : memref<1x10000xf32, #tpu.memory_space<vmem>>, vector<1x10000xf32>
    %swap3A_52 = vector.shape_cast %swap3A_51 : vector<1x10000xf32> to vector<10000xf32>
    %swap3A_53 = vector.shape_cast %add3A_48 : vector<10000xf32> to vector<1x10000xf32>
    tpu.vector_store %arg6[%swap3A_49, %swap3A_50], %swap3A_53 {strides = array<i32>} : memref<1x10000xf32, #tpu.memory_space<vmem>>, vector<1x10000xf32>,
    %swap3A_54 = arith.constant 0 : index
    %swap3A_55 = arith.constant 0 : index
    %swap3A_56 = vector.load %arg7[%swap3A_54, %swap3A_55] : memref<1x10000xf32, #tpu.memory_space<vmem>>, vector<1x10000xf32>
    %swap3A_57 = vector.shape_cast %swap3A_56 : vector<1x10000xf32> to vector<10000xf32>
    %swap3A_58 = vector.shape_cast %div3A_20 : vector<10000xf32> to vector<1x10000xf32>
    tpu.vector_store %arg7[%swap3A_54, %swap3A_55], %swap3A_58 {strides = array<i32>} : memref<1x10000xf32, #tpu.memory_space<vmem>>, vector<1x10000xf32>,
    return
  }
}

module attributes {stable_mosaic.version = 14 : i64} {
  func.func @_phase4_body(%arg0: memref<1x10000xf32, #tpu.memory_space<vmem>>, %arg1: memref<32x10000xf32, #tpu.memory_space<vmem>>, %arg2: memref<1x10000xf32, #tpu.memory_space<vmem>>, %arg3: memref<1x10000xf32, #tpu.memory_space<vmem>>) attributes {dimension_semantics = [], scalar_prefetch = 0 : i64, scratch_operands = 0 : i64, tpu.core_type = #tpu.core_type<tc>} {
    %get3A = arith.constant 0 : index
    %get3A_0 = arith.constant 0 : index
    %get3A_1 = vector.load %arg1[%get3A, %get3A_0] : memref<32x10000xf32, #tpu.memory_space<vmem>>, vector<32x10000xf32>
    %reduce_sum3A = arith.constant dense<0.000000e+00> : vector<10000xf32>
    %reduce_sum3A_2 = vector.multi_reduction <add>, %get3A_1, %reduce_sum3A [0] : vector<32x10000xf32> to vector<10000xf32>
    %get3A_3 = arith.constant 0 : index
    %get3A_4 = arith.constant 0 : index
    %get3A_5 = vector.load %arg0[%get3A_3, %get3A_4] : memref<1x10000xf32, #tpu.memory_space<vmem>>, vector<1x10000xf32>
    %get3A_6 = vector.shape_cast %get3A_5 : vector<1x10000xf32> to vector<10000xf32>
    %get3A_7 = arith.constant 0 : index
    %get3A_8 = arith.constant 0 : index
    %get3A_9 = vector.load %arg2[%get3A_7, %get3A_8] : memref<1x10000xf32, #tpu.memory_space<vmem>>, vector<1x10000xf32>
    %get3A_10 = vector.shape_cast %get3A_9 : vector<1x10000xf32> to vector<10000xf32>
    %mul3A = arith.mulf %reduce_sum3A_2, %get3A_10 : vector<10000xf32>
    %add3A = arith.addf %get3A_6, %mul3A : vector<10000xf32>
    %logistic3A = arith.negf %add3A : vector<10000xf32>
    %logistic3A_11 = math.exp %logistic3A : vector<10000xf32>
    %logistic3A_12 = arith.constant 1.000000e+00 : f32
    %logistic3A_13 = vector.broadcast %logistic3A_12 : f32 to vector<10000xf32>
    %logistic3A_14 = arith.addf %logistic3A_13, %logistic3A_11 : vector<10000xf32>
    %logistic3A_15 = arith.divf %logistic3A_13, %logistic3A_14 : vector<10000xf32>
    %swap3A = arith.constant 0 : index
    %swap3A_16 = arith.constant 0 : index
    %swap3A_17 = vector.load %arg3[%swap3A, %swap3A_16] : memref<1x10000xf32, #tpu.memory_space<vmem>>, vector<1x10000xf32>
    %swap3A_18 = vector.shape_cast %swap3A_17 : vector<1x10000xf32> to vector<10000xf32>
    %swap3A_19 = vector.shape_cast %logistic3A_15 : vector<10000xf32> to vector<1x10000xf32>
    tpu.vector_store %arg3[%swap3A, %swap3A_16], %swap3A_19 {strides = array<i32>} : memref<1x10000xf32, #tpu.memory_space<vmem>>, vector<1x10000xf32>,
    return
  }
}

</mosaic_0001>

<sc_bundles>
// kernel: kernel.6.cloned.1.call-start
scs
__scs_entry_jumppad:
0x0: {  	(pc) =	sbr.rel $0x88, $3  }
0x1: {  	(tag) =	ssettag $0x0;
	lr =	simm.s32 $0x1  }
0x2: {  	[smem:$0x3F9E] =	sst lr;
	_ =	strace $0xD0000000  }
0x3: {  	_ = 	snop  }
0x4: {  	_ = 	snop  }
0x5: {  	_ = 	snop  }
0x6: {  	_ = 	snop  }
0x7: {  	_ = 	snop  }
__scs_overlays_trampoline_lowered:
0x8: {  	[smem:$0x3FAD] =	sst s0  }
0x9: {  	[smem:$0x3FAE] =	sst s1  }
0xa: {  	[smem:$0x3FAF] =	sst s2  }
0xb: {  	[smem:$0x3FB0] =	sst s3  }
0xc: {  	[smem:$0x3FB1] =	sst s4  }
0xd: {  	[smem:$0x3FB2] =	sst s5  }
0xe: {  	[smem:$0x3FB3] =	sst s6  }
0xf: {  	[smem:$0x3FB4] =	sst s7  }
0x10: {  	[smem:$0x3FB5] =	sst s8  }
0x11: {  	[smem:$0x3FB6] =	sst s9;
	s0 =	simm.s32 @!p0 $0x0  }
0x12: {  	s1 =	sld [smem:$0x3F9C];
	s0 =	simm.s32 @p0 $0x1  }
0x13: {  	[smem:$0x3FB7] =	sst s0;
	s0 =	simm.s32 @!p1 $0x0  }
0x14: {  	s2 =	sld [smem:$0x3F9B];
	s0 =	simm.s32 @p1 $0x1  }
0x15: {  	[smem:$0x3FB8] =	sst s0;
	s0 =	simm.s32 @!p2 $0x0  }
0x16: {  	s3 =	sld [smem:$0x3FDB];
	s0 =	simm.s32 @p2 $0x1  }
0x17: {  	s4 =	simm.s32 $0x1BF5;
	[smem:$0x3FBA] =	sst s0  }
0x18: {  	s0 =	sld [smem:$0x3F9D];
	_ =	swait.ge [sflag:s4], $0x0  }
0x19: {  	s7 =	sld [smem:$0x3F9E]  }
0x1a: {  	s8 =	sadd.s32 $0xFFFFE003, lr  }
0x1b: {  	s9 =	sadd.s32 $0xFFFFFEF7, lr;
	s5 =	simm.s32 $0xFFFFFFFF;
	p2 =	slt.u32 s8, $0xFFFFF086  }
0x1c: {  	p1 =	slt.u32 s9, $0xF7A;
	s5 =	simm.s32 @!p2 $0x0  }
0x1d: {  	s5 =	simm.s32 @p1 $0x1;
	p0 =	seq.s32 s7, s2  }
0x1e: {  	s7 =	smul.u32 @!p0 $0xF7A, s2;
	p2 =	seq.s32 @!p0 s5, $0x0  }
0x1f: {  	s9 =	smul.u32 $0xF7A, s1;
	s8 =	simm.s32 @!p0 $0x1BF5;
	p2 =	por !p2, p0  }
0x20: {  	[sflag:s8] =	ssyncset.s32 @!p0 $0xFFFFF086;
	s6 =	sadd.s32 @!p0 s3, s7;
	s7 =	simm.s32 @!p0 $0x108  }
0x21: {  	s3 =	sadd.s32 s3, s9;
	s6 =	sadd.s32 @!p0 $0x88, s6;
	s7 =	simm.s32 @p2 $0x1082  }
0x22: {  	[simem:s7], [sflag:s8] =	dma.local @!p0 [hbm:s6], $0xF7A  }
0x23: {  	s9 =	sor.u32 $0xD0000000, s2;
	s6 =	simm.s32 $0x108;
	_ =	swait.ge @!p0 [sflag:s8], $0x0  }
0x24: {  	s3 =	sadd.s32 $0x88, s3;
	s6 =	simm.s32 @!p1 $0x1082;
	[sflag:s4] =	ssyncset.s32 $0xFFFFF086  }
0x25: {  	[simem:s6], [sflag:s4] =	dma.local [hbm:s3], $0xF7A  }
0x26: {  	[smem:$0x3F9E] =	sst s1;
	(tag) =	ssettag s2;
	_ =	strace s9  }
0x27: {  	s1 =	sld [smem:$0x3FAE]  }
0x28: {  	s2 =	sld [smem:$0x3FAF]  }
0x29: {  	s4 =	sld [smem:$0x3FB1]  }
0x2a: {  	p0 =	seq.s32 s5, $0x0;
	s5 =	sld [smem:$0x3FB2]  }
0x2b: {  	s6 =	sld [smem:$0x3FB3]  }
0x2c: {  	s7 =	sld [smem:$0x3FB4]  }
0x2d: {  	s3 =	simm.s32 $0x108;
	s8 =	sld [smem:$0x3FB5]  }
0x2e: {  	s3 =	simm.s32 @!p0 $0x1082;
	s9 =	sld [smem:$0x3FB6]  }
0x2f: {  	lr =	sadd.s32 s0, s3;
	s0 =	sld [smem:$0x3FAD]  }
0x30: {  	s3 =	sld [smem:$0x3FB0]  }
0x31: {  	[smem:$0x3FB9] =	sst s10  }
0x32: {  	s10 =	sld [smem:$0x3FB7];
	_ =	sdelay $0x3  }
0x33: {  	p0 =	seq.s32 s10, $0x1;
	s10 =	sld [smem:$0x3FB9];
	_ =	sdelay $0x3  }
0x34: {  	[smem:$0x3FB9] =	sst s10  }
0x35: {  	s10 =	sld [smem:$0x3FB8];
	_ =	sdelay $0x3  }
0x36: {  	p1 =	seq.s32 s10, $0x1;
	s10 =	sld [smem:$0x3FB9];
	_ =	sdelay $0x3  }
0x37: {  	[smem:$0x3FB9] =	sst s10  }
0x38: {  	s10 =	sld [smem:$0x3FBA]  }
0x39: {  	_ = 	snop;
	(pc) =	sbr.ind lr, $3  }
0x3a: {  	_ = 	snop  }
0x3b: {  	_ = 	snop  }
0x3c: {  	p2 =	seq.s32 s10, $0x1;
	s10 =	sld [smem:$0x3FB9]  }
0x3d: {  	_ =	shalt  }
0x3e: {  	_ =	shalt  }
0x3f: {  	_ =	shalt  }
0x40: {  	_ =	shalt  }
0x41: {  	_ =	shalt  }
0x42: {  	_ =	shalt  }
0x43: {  	_ =	shalt  }
0x44: {  	_ =	shalt  }
0x45: {  	_ =	shalt  }
0x46: {  	_ =	shalt  }
0x47: {  	_ =	shalt  }
0x48: {  	_ =	shalt  }
0x49: {  	_ =	shalt  }
0x4a: {  	_ =	shalt  }
0x4b: {  	_ =	shalt  }
0x4c: {  	_ =	shalt  }
0x4d: {  	_ =	shalt  }
0x4e: {  	_ =	shalt  }
0x4f: {  	_ =	shalt  }
0x50: {  	_ =	shalt  }
0x51: {  	_ =	shalt  }
0x52: {  	_ =	shalt  }
0x53: {  	_ =	shalt  }
0x54: {  	_ =	shalt  }
0x55: {  	_ =	shalt  }
0x56: {  	_ =	shalt  }
0x57: {  	_ =	shalt  }
0x58: {  	_ =	shalt  }
0x59: {  	_ =	shalt  }
0x5a: {  	_ =	shalt  }
0x5b: {  	_ =	shalt  }
0x5c: {  	_ =	shalt  }
0x5d: {  	_ =	shalt  }
0x5e: {  	_ =	shalt  }
0x5f: {  	_ =	shalt  }
0x60: {  	_ =	shalt  }
0x61: {  	_ =	shalt  }
0x62: {  	_ =	shalt  }
0x63: {  	_ =	shalt  }
0x64: {  	_ =	shalt  }
0x65: {  	_ =	shalt  }
0x66: {  	_ =	shalt  }
0x67: {  	_ =	shalt  }
0x68: {  	_ =	shalt  }
0x69: {  	_ =	shalt  }
0x6a: {  	_ =	shalt  }
0x6b: {  	_ =	shalt  }
0x6c: {  	_ =	shalt  }
0x6d: {  	_ =	shalt  }
0x6e: {  	_ =	shalt  }
0x6f: {  	_ =	shalt  }
0x70: {  	_ =	shalt  }
0x71: {  	_ =	shalt  }
0x72: {  	_ =	shalt  }
0x73: {  	_ =	shalt  }
0x74: {  	_ =	shalt  }
0x75: {  	_ =	shalt  }
0x76: {  	_ =	shalt  }
0x77: {  	_ =	shalt  }
0x78: {  	_ =	shalt  }
0x79: {  	_ =	shalt  }
0x7a: {  	_ =	shalt  }
0x7b: {  	_ =	shalt  }
0x7c: {  	_ =	shalt  }
0x7d: {  	_ =	shalt  }
0x7e: {  	_ =	shalt  }
0x7f: {  	_ =	shalt  }
0x80: {  	_ =	shalt  }
0x81: {  	_ =	shalt  }
0x82: {  	_ =	shalt  }
0x83: {  	_ =	shalt  }
0x84: {  	_ =	shalt  }
0x85: {  	_ =	shalt  }
0x86: {  	_ =	shalt  }
0x87: {  	_ =	shalt  }
.Lfunc_end0:
.L_simem_size_0:
called_computation_lowered:
.L_overlay_start_0:
0x88: {  	s2 =	sld [smem:$0x3FD9]  }
0x89: {  	s3 =	sld [smem:$0x3FFE];
	_ =	sdelay $0x1  }
0x8a: {  	s1 =	srdreg.scid  }
0x8b: {  	s0 =	sand.u32 $0x1, s1  }
0x8c: {  	s17 =	sshll.u32 s0, $0xA;
	s2 =	sadd.s32 s3, s2  }
0x8d: {  	s2 =	sadd.s32 s2, s17  }
0x8e: {  	[smem:$0x3FC5] =	sst s2  }
0x8f: {  	_ = 	snop  }
0x90: {  	s2 =	sld [smem:$0x3FC9];
	(tm) =	ssettm $0x1  }
0x91: {  	s18 =	sld [smem:$0x3FFB];
	_ =	sdelay $0x3  }
0x92: {  	_ =	strace s18  }
0x93: {  	s3 =	sld [smem:$0x3FFC];
	_ =	sdelay $0x3  }
0x94: {  	_ =	strace s3  }
0x95: {  	s3 =	sld [smem:$0x3FFD];
	_ =	sdelay $0x3  }
0x96: {  	_ =	strace s3  }
0x97: {  	_ =	strace $0x8FFFFFFF  }
0x98: {  	s19 =	sld [smem:$0x3FDB];
	_ =	sdelay $0x1  }
0x99: {  	s4 =	simm.s32 $_scs_section_size  }
0x9a: {  	s5 =	simm.s32 $_size__tile_overlayer_lowered;
	s6 =	simm.s32 $_tile_overlayer_lowered  }
0x9b: {  	s22 =	simm.s32 $0x1BFF;
	s21 =	sshll.u32 s6, $0x1;
	s3 =	sadd.s32 s4, s19  }
0x9c: {  	s7 =	simm.s32 $0x0;
	s20 =	sshll.u32 s5, $0x1;
	s5 =	sadd.s32 s21, s3  }
0x9d: {  	[timem:s7], [sflag:s22] =	dma.local [hbm:s5], s20  }
0x9e: {  	_ =	swait.ge [sflag:s22], s20  }
0x9f: {  	s4 =	ssub.s32 $0x0, s20;
	[sflag:s22] =	ssyncset.done $0x0  }
0xa0: {  	[sflag:s22] =	ssyncadd.s32 s4;
	_ =	sdelay $0x1  }
0xa1: {  	s23 =	simm.s32 $0x1B8B  }
0xa2: {  	_ =	swait.ge [sflag:s23], $0x1  }
0xa3: {  	[sflag:s23] =	ssyncset.done $0x0  }
0xa4: {  	s25 =	simm.s32 $0x1B8E;
	s24 =	sld [smem:$0x3FFE];
	[sflag:s23] =	ssyncadd.s32 $0xFFFFFFFF  }
0xa5: {  	s26 =	simm.s32 $execute0_lowered;
	[smem:$0x3FD2] =	sst s25  }
0xa6: {  	s5 =	sshll.u32 s26, $0x1;
	_ =	strace $0x80000046;
	[dreg:$0x1] =	wrdreg $0xFFFFFFFF  }
0xa7: {  	s28 =	simm.s32 $_size_execute0_lowered;
	s3 =	sadd.s32 s3, s5;
	[dreg:$0x0] =	wrdreg $0x0  }
0xa8: {  	s5 =	sshll.u32 s28, $0x1;
	[dreg:$0x2] =	wrdreg s3  }
0xa9: {  	[dreg:$0x3] =	wrdreg s5  }
0xaa: {  	[dreg:$0x4] =	wrdreg $0xC0  }
0xab: {  	_ =	task [dreg:s7], $0x5FFFF  }
0xac: {  	[dreg:$0x1] =	wrdreg $0xFFFFFFFF  }
0xad: {  	[dreg:$0x0] =	wrdreg $0x60  }
0xae: {  	[dreg:$0x2] =	wrdreg s2  }
0xaf: {  	[dreg:$0x3] =	wrdreg s24  }
0xb0: {  	[dreg:$0x4] =	wrdreg $0xAB000  }
0xb1: {  	[dreg:$0x5] =	wrdreg $0x1EB000  }
0xb2: {  	[dreg:$0x6] =	wrdreg $0x9  }
0xb3: {  	_ =	task.clear_ibuf [dreg:s7], $0x7FFFF;
	_ =	strace $0x90000046  }
0xb4: {  	s29 =	simm.s32 $0x9;
	_ =	strace $0x80000048  }
0xb5: {  	_ =	swait.ge [sflag:s29], $0x1  }
0xb6: {  	[sflag:s29] =	ssyncadd.s32 $0xFFFFFFFF  }
0xb7: {  	_ =	strace $0x90000048  }
0xb8: {  	_ =	sfence  }
0xb9: {  	s30 =	sld [smem:$0x0];
	_ =	sdelay $0x2  }
0xba: {  	s31 =	sshll.u32 s1, $0xD;
	s1 =	sshrl.u32 s1, $0x2  }
0xbb: {  	s3 =	sand.u32 $0x4000, s31;
	s1 =	sadd.s32 s1, s30  }
0xbc: {  	s0 =	sor.u32 s3, s0;
	s1 =	sshll.u32 s1, $0x11  }
0xbd: {  	s0 =	sor.u32 s1, s0  }
0xbe: {  	s0 =	sadd.s32 $0x8F2B, s0  }
0xbf: {  	[sflag:s0] =	ssyncadd.remote.s32 $0x1  }
0xc0: {  	_ =	sfence.sel $0xFFFF  }
0xc1: {  	[dreg:$0x0] =	wrdreg $0xFFFFFFFF;
	(pc) =	sbr.abs _section_cstart, $3  }
0xc2: {  	[dreg:$0x1] =	wrdreg $0xFFFFFFFF  }
0xc3: {  	_ =	task.clear_ibuf [dreg:s7], $0x2FFFF;
	_ =	strace $0x9FFFFFFF  }
0xc4: {  	(tm) =	ssettm $0x7FFFFFFF  }
0xc5: {  	_ =	shalt  }
tec
execute0_lowered:
.L_overlay_start_1:
0x0: {  	(tag) =	ssettag $0x1  }
0x1: {  	s0 =	rddreg [dreg:$0x0]  }
0x2: {  	s1 =	rddreg [dreg:$0x1]  }
0x3: {  	s2 =	rddreg [dreg:$0x2]  }
0x4: {  	s3 =	rddreg [dreg:$0x3];
	s5 =	srdreg.scid  }
0x5: {  	s4 =	simm.s32 $0x0;
	s11 =	stileid.u32;
	s28 =	simm.s32 $0x8000  }
0x6: {  	s29 =	simm.s32 $0x1;
	s30 =	simm.s32 $0xA880;
	s8 =	smul.u32 $0x500, s11  }
0x7: {  	s31 =	simm.s32 $0x0;
	s5 =	sand.u32 $0x1, s5;
	s22 =	smul.u32 $0x280, s11  }
0x8: {  	s7 =	sshll.u32 s11, $0xB;
	[smem:$0x7FF] =	sst s4;
	s9 =	smul.u32 $0x50000, s11  }
0x9: {  	s10 =	sadd.s32 $0x20800, s1;
	s23 =	smul.u32 $0x14000, s11;
	s6 =	sshll.u32 s5, $0xF  }
0xa: {  	s18 =	sshll.u32 s5, $0x7;
	s19 =	ssub.s32 $0x2, s5;
	s5 =	smul.u32 $0x140000, s5  }
0xb: {  	s6 =	sor.u32 s7, s6;
	s7 =	sor.u32 s18, s8;
	s20 =	sshrl.u32 s19, $0x1  }
0xc: {  	s21 =	sshll.u32 s22, $0x7;
	s14 =	sshrl.u32 s9, $0x2;
	s22 =	sadd.s32 s22, s3  }
0xd: {  	s6 =	sadd.s32 s6, s1;
	s7 =	sshrl.u32 s7, $0x3;
	s26 =	ssub.s32 s19, s20  }
0xe: {  	s15 =	sor.u32 $0x2800, s21;
	s16 =	sadd.s32 $0x5000, s21;
	s17 =	sadd.s32 $0x7800, s21  }
0xf: {  	s18 =	sadd.s32 $0xA000, s21;
	s19 =	sadd.s32 $0xC800, s21;
	s20 =	sadd.s32 $0xF000, s21  }
0x10: {  	s8 =	sadd.s32 s23, s5;
	s21 =	sadd.s32 $0x11800, s21;
	s14 =	sadd.s32 s14, s2  }
0x11: {  	s1 =	sadd.s32 s7, s1;
	s24 =	sshrl.u32 s8, $0x3;
	s25 =	sadd.s32 s5, s15  }
0x12: {  	s11 =	sadd.s32 s5, s16;
	s13 =	sadd.s32 s5, s17;
	s23 =	sadd.s32 s5, s18  }
0x13: {  	s15 =	sadd.s32 s15, s2;
	s16 =	sadd.s32 s16, s2;
	s17 =	sadd.s32 s17, s2  }
0x14: {  	s18 =	sadd.s32 s18, s2;
	s26 =	smax.u32 s26, $0x1;
	s7 =	sadd.s32 s10, s24  }
0x15: {  	s9 =	sshrl.u32 s25, $0x3;
	s12 =	sshrl.u32 s11, $0x3;
	s8 =	sshrl.u32 s13, $0x3  }
0x16: {  	s25 =	sadd.s32 s5, s19;
	s19 =	sadd.s32 s19, s2;
	[dreg:$0x5] =	wrdreg s7  }
0x17: {  	s7 =	sadd.s32 s10, s9;
	s24 =	sadd.s32 s10, s8;
	s9 =	sshrl.u32 s23, $0x3  }
0x18: {  	s11 =	sshrl.u32 s25, $0x3;
	s23 =	sadd.s32 $0x800, s6;
	s25 =	sadd.s32 $0x70800, s1  }
0x19: {  	s1 =	simm.s32 $0xA800;
	[dreg:$0x6] =	wrdreg s7;
	s7 =	sadd.s32 s10, s12  }
0x1a: {  	[dreg:$0x8] =	wrdreg s24;
	s9 =	sadd.s32 s10, s9;
	s12 =	sadd.s32 s5, s20  }
0x1b: {  	s11 =	sadd.s32 s10, s11;
	s5 =	sadd.s32 s5, s21;
	s20 =	sadd.s32 s20, s2  }
0x1c: {  	s21 =	sadd.s32 s21, s2;
	s24 =	sadd.s32 $0x10800, s6;
	s12 =	sshrl.u32 s12, $0x3  }
0x1d: {  	[dreg:$0x7] =	wrdreg s7;
	s5 =	sshrl.u32 s5, $0x3;
	s12 =	sadd.s32 s10, s12  }
0x1e: {  	v0 =	vimm.f32 $0.0e+00;
	v1 =	vimm.f32 $1.000000000e+00;
	s13 =	sadd.s32 s10, s5;
	_ =	strace $0x80000047;
	s10 =	simm.s32 $0x50  }
.LBB2_1:
0x1f: {  	s5 =	simm.s32 $0x0;
	s6 =	simm.s32 $0x200  }
.LBB2_2:
0x20: {  	p0 =	sne.s32 s6, $0x9E00;
	[tilespmem:s5+$0x8070] =	vst v0  }
0x21: {  	[tilespmem:s5+$0x8000] =	vst v0  }
0x22: {  	[tilespmem:s5+$0x8010] =	vst v0  }
.Ltmp0:
0x23: {  	[tilespmem:s5+$0x8020] =	vst v0;
	(pc) =	sbr.rel @p0 .LBB2_2-.Ltmp0, $4  }
0x24: {  	[tilespmem:s5+$0x8030] =	vst v0  }
0x25: {  	[tilespmem:s5+$0x8040] =	vst v0  }
0x26: {  	[tilespmem:s5+$0x8050] =	vst v0  }
0x27: {  	[tilespmem:s5+$0x8060] =	vst v0;
	s5 =	sshra.s32 s6, $0x2;
	s6 =	sadd.s32 $0x200, s6  }
0x28: {  	[tilespmem:s5+$0x8070] =	vst v0  }
0x29: {  	[tilespmem:s5+$0x8000] =	vst v0  }
0x2a: {  	[tilespmem:s5+$0x8010] =	vst v0  }
0x2b: {  	[tilespmem:s5+$0x8020] =	vst v0  }
0x2c: {  	[tilespmem:s5+$0x8030] =	vst v0  }
0x2d: {  	[tilespmem:s5+$0x8040] =	vst v0  }
0x2e: {  	[tilespmem:s5+$0x8050] =	vst v0  }
0x2f: {  	[tilespmem:s5+$0x8060] =	vst v0  }
0x30: {  	[tilespmem:$0xA880] =	vst v0  }
0x31: {  	[tilespmem:$0xA890] =	vst v0  }
0x32: {  	[tilespmem:$0xA8A0] =	vst v0  }
0x33: {  	[tilespmem:$0xA8B0] =	vst v0  }
0x34: {  	[tilespmem:$0xA8C0] =	vst v0  }
0x35: {  	[tilespmem:$0xA8D0] =	vst v0  }
0x36: {  	[tilespmem:$0xA8E0] =	vst v0  }
0x37: {  	[tilespmem:$0xA8F0] =	vst v0  }
0x38: {  	[tilespmem:$0xA900] =	vst v0  }
0x39: {  	[tilespmem:$0xA910] =	vst v0  }
0x3a: {  	[tilespmem:$0xA920] =	vst v0  }
0x3b: {  	[tilespmem:$0xA930] =	vst v0  }
0x3c: {  	[tilespmem:$0xA940] =	vst v0  }
0x3d: {  	[tilespmem:$0xA950] =	vst v0  }
0x3e: {  	[tilespmem:$0xA960] =	vst v0  }
0x3f: {  	[tilespmem:$0xA970] =	vst v0  }
0x40: {  	[tilespmem:$0xA980] =	vst v0  }
0x41: {  	[tilespmem:$0xA990] =	vst v0  }
0x42: {  	[tilespmem:$0xA9A0] =	vst v0  }
0x43: {  	[tilespmem:$0xA9B0] =	vst v0  }
0x44: {  	[tilespmem:$0xA9C0] =	vst v0  }
0x45: {  	[tilespmem:$0xA9D0] =	vst v0  }
0x46: {  	[tilespmem:$0xA9E0] =	vst v0  }
0x47: {  	[tilespmem:$0xA9F0] =	vst v0  }
0x48: {  	[tilespmem:$0xAA00] =	vst v0  }
0x49: {  	[tilespmem:$0xAA10] =	vst v0  }
0x4a: {  	[tilespmem:$0xAA20] =	vst v0  }
0x4b: {  	[tilespmem:$0xAA30] =	vst v0  }
0x4c: {  	[tilespmem:$0xAA40] =	vst v0  }
0x4d: {  	[tilespmem:$0xAA50] =	vst v0  }
0x4e: {  	[tilespmem:$0xAA60] =	vst v0  }
0x4f: {  	[tilespmem:$0xAA70] =	vst v0  }
0x50: {  	[tilespmem:$0xAA80] =	vst v0  }
0x51: {  	[tilespmem:$0xAA90] =	vst v0  }
0x52: {  	[tilespmem:$0xAAA0] =	vst v0  }
0x53: {  	[tilespmem:$0xAAB0] =	vst v0  }
0x54: {  	[tilespmem:$0xAAC0] =	vst v0  }
0x55: {  	[tilespmem:$0xAAD0] =	vst v0  }
0x56: {  	[tilespmem:$0xAAE0] =	vst v0  }
0x57: {  	[tilespmem:$0xAAF0] =	vst v0  }
0x58: {  	[tilespmem:$0xA800] =	vst v1  }
0x59: {  	[tilespmem:$0xA810] =	vst v1  }
0x5a: {  	[tilespmem:$0xA820] =	vst v1  }
0x5b: {  	[tilespmem:$0xA830] =	vst v1  }
0x5c: {  	[tilespmem:$0xA840] =	vst v1  }
0x5d: {  	[spmem:s14] =	stream.linear.scatter [tilespmem:s28], [sflag:$0x1], $0x2800, $0x38;
	[tilespmem:$0x1ED80] =	vst v63  }
0x5e: {  	_ =	swait.ge [sflag:s29], $0x2800  }
0x5f: {  	[sflag:s29] =	ssyncset.done $0x0  }
0x60: {  	[sflag:s29] =	ssyncadd.s32 $0xFFFFD800  }
0x61: {  	[spmem:s15] =	stream.linear.scatter [tilespmem:s28], [sflag:$0x1], $0x2800, $0x38;
	[tilespmem:$0x1ED80] =	vst v63  }
0x62: {  	_ =	swait.ge [sflag:s29], $0x2800  }
0x63: {  	[sflag:s29] =	ssyncset.done $0x0  }
0x64: {  	[sflag:s29] =	ssyncadd.s32 $0xFFFFD800  }
0x65: {  	[spmem:s16] =	stream.linear.scatter [tilespmem:s28], [sflag:$0x1], $0x2800, $0x38;
	[tilespmem:$0x1ED80] =	vst v63  }
0x66: {  	_ =	swait.ge [sflag:s29], $0x2800  }
0x67: {  	[sflag:s29] =	ssyncset.done $0x0  }
0x68: {  	[sflag:s29] =	ssyncadd.s32 $0xFFFFD800  }
0x69: {  	[spmem:s17] =	stream.linear.scatter [tilespmem:s28], [sflag:$0x1], $0x2800, $0x38;
	[tilespmem:$0x1ED80] =	vst v63  }
0x6a: {  	_ =	swait.ge [sflag:s29], $0x2800  }
0x6b: {  	[sflag:s29] =	ssyncset.done $0x0  }
0x6c: {  	[sflag:s29] =	ssyncadd.s32 $0xFFFFD800  }
0x6d: {  	[spmem:s18] =	stream.linear.scatter [tilespmem:s28], [sflag:$0x1], $0x2800, $0x38;
	[tilespmem:$0x1ED80] =	vst v63  }
0x6e: {  	_ =	swait.ge [sflag:s29], $0x2800  }
0x6f: {  	[sflag:s29] =	ssyncset.done $0x0  }
0x70: {  	[sflag:s29] =	ssyncadd.s32 $0xFFFFD800  }
0x71: {  	[spmem:s19] =	stream.linear.scatter [tilespmem:s28], [sflag:$0x1], $0x2800, $0x38;
	[tilespmem:$0x1ED80] =	vst v63  }
0x72: {  	_ =	swait.ge [sflag:s29], $0x2800  }
0x73: {  	[sflag:s29] =	ssyncset.done $0x0  }
0x74: {  	[sflag:s29] =	ssyncadd.s32 $0xFFFFD800  }
0x75: {  	[spmem:s20] =	stream.linear.scatter [tilespmem:s28], [sflag:$0x1], $0x2800, $0x38;
	[tilespmem:$0x1ED80] =	vst v63  }
0x76: {  	_ =	swait.ge [sflag:s29], $0x2800  }
0x77: {  	[sflag:s29] =	ssyncset.done $0x0  }
0x78: {  	[sflag:s29] =	ssyncadd.s32 $0xFFFFD800  }
0x79: {  	[spmem:s21] =	stream.linear.scatter [tilespmem:s28], [sflag:$0x1], $0x2800, $0x38;
	[tilespmem:$0x1ED80] =	vst v63  }
0x7a: {  	_ =	swait.ge [sflag:s29], $0x2800  }
0x7b: {  	[sflag:s29] =	ssyncset.done $0x0  }
0x7c: {  	[sflag:s29] =	ssyncadd.s32 $0xFFFFD800  }
0x7d: {  	[spmem:s22] =	stream.linear.scatter [tilespmem:s30], [sflag:$0x1], $0x280, $0x38;
	[tilespmem:$0x1ED80] =	vst v63  }
0x7e: {  	_ =	swait.ge [sflag:s29], $0x280  }
0x7f: {  	[sflag:s29] =	ssyncset.done $0x0  }
0x80: {  	s8 =	simm.s32 $0x0;
	[sflag:s29] =	ssyncadd.s32 $0xFFFFFD80  }
0x81: {  	[tilespmem:s8], [sflag:$0x1] =	stream.linear.gather [hbm4b:s23+s8], $0x3E80, $0x38;
	[tilespmem:$0x1ED80] =	vst v63  }
0x82: {  	_ =	swait.ge [sflag:s29], $0x3E80  }
0x83: {  	[sflag:s29] =	ssyncset.done $0x0  }
0x84: {  	s6 =	simm.s32 $0x4000;
	[sflag:s29] =	ssyncadd.s32 $0xFFFFC180  }
0x85: {  	[tilespmem:s6], [sflag:$0x1] =	stream.linear.gather [hbm4b:s24+s8], $0x3E80, $0x38;
	[tilespmem:$0x1ED80] =	vst v63  }
0x86: {  	_ =	swait.ge [sflag:s29], $0x3E80  }
0x87: {  	[sflag:s29] =	ssyncset.done $0x0  }
0x88: {  	[sflag:s29] =	ssyncadd.s32 $0xFFFFC180  }
0x89: {  	s7 =	simm.s32 $0x0;
	[bflag:$0x0] =	sbarrier.arrive $0xFFFF  }
0x8a: {  	[tilespmem:s28], [sflag:$0x1] =	stream.indirect.gather [hbm4b:s0+s10], $0x80, s7, s10, $0xb8;
	[tilespmem:$0x1ED80] =	vst v63  }
0x8b: {  	_ =	swait.ge [sflag:s29], $0x2800  }
0x8c: {  	[sflag:s29] =	ssyncset.done $0x0  }
0x8d: {  	s8 =	simm.s32 $0x4000;
	[sflag:s29] =	ssyncadd.s32 $0xFFFFD800  }
0x8e: {  	[spmem:s2] =	stream.indirect.scatter.add.f32 [tilespmem:s28], [sflag:$0x1], $0x80, s8, s10, $0xb8;
	[tilespmem:$0x1ED80] =	vst v63  }
0x8f: {  	_ =	swait.ge [sflag:s29], $0x2800  }
0x90: {  	[sflag:s29] =	ssyncset.done $0x0  }
0x91: {  	[sflag:s29] =	ssyncadd.s32 $0xFFFFD800  }
0x92: {  	[spmem:s3] =	stream.indirect.scatter.add.f32 [tilespmem:s1], [sflag:$0x1], $0x1, s8, s10, $0xb8;
	[tilespmem:$0x1ED80] =	vst v63  }
0x93: {  	_ =	swait.ge [sflag:s29], $0x50  }
0x94: {  	s5 =	simm.s32 $0x200;
	s6 =	simm.s32 $0x400;
	[sflag:s29] =	ssyncset.done $0x0  }
.LBB2_4:
0x95: {  	s7 =	sshra.s32 s5, $0x2  }
0x96: {  	[sflag:s29] =	ssyncadd.s32 $0xFFFFFFB0;
	s5 =	smov.u32 s6;
	s8 =	sadd.s32 $0x200, s6  }
0x97: {  	[tilespmem:s28], [sflag:$0x1] =	stream.indirect.gather [hbm4b:s0+s10], $0x80, s7, s10, $0xb8;
	[tilespmem:$0x1ED80] =	vst v63  }
0x98: {  	p0 =	sne.s32 s6, $0xF800;
	_ =	swait.ge [sflag:s29], $0x2800  }
0x99: {  	[sflag:s29] =	ssyncset.done $0x0  }
0x9a: {  	s6 =	sadd.s32 $0x4000, s7;
	[sflag:s29] =	ssyncadd.s32 $0xFFFFD800  }
0x9b: {  	[spmem:s2] =	stream.indirect.scatter.add.f32 [tilespmem:s28], [sflag:$0x1], $0x80, s6, s10, $0xb8;
	[tilespmem:$0x1ED80] =	vst v63  }
0x9c: {  	_ =	swait.ge [sflag:s29], $0x2800  }
.Ltmp1:
0x9d: {  	[sflag:s29] =	ssyncset.done $0x0;
	(pc) =	sbr.rel @p0 .LBB2_4-.Ltmp1, $4  }
0x9e: {  	[sflag:s29] =	ssyncadd.s32 $0xFFFFD800  }
0x9f: {  	[spmem:s3] =	stream.indirect.scatter.add.f32 [tilespmem:s1], [sflag:$0x1], $0x1, s6, s10, $0xb8;
	[tilespmem:$0x1ED80] =	vst v63  }
0xa0: {  	_ =	swait.ge [sflag:s29], $0x50  }
0xa1: {  	s6 =	smov.u32 s8;
	[sflag:s29] =	ssyncset.done $0x0  }
0xa2: {  	s5 =	sshra.s32 s5, $0x2;
	[sflag:s29] =	ssyncadd.s32 $0xFFFFFFB0  }
0xa3: {  	[tilespmem:s28], [sflag:$0x1] =	stream.indirect.gather [hbm4b:s0+s10], $0x80, s5, s10, $0xb8;
	[tilespmem:$0x1ED80] =	vst v63  }
0xa4: {  	_ =	swait.ge [sflag:s29], $0x2800  }
0xa5: {  	[sflag:s29] =	ssyncset.done $0x0  }
0xa6: {  	s5 =	sadd.s32 $0x4000, s5;
	[sflag:s29] =	ssyncadd.s32 $0xFFFFD800  }
0xa7: {  	[spmem:s2] =	stream.indirect.scatter.add.f32 [tilespmem:s28], [sflag:$0x1], $0x80, s5, s10, $0xb8;
	[tilespmem:$0x1ED80] =	vst v63  }
0xa8: {  	_ =	swait.ge [sflag:s29], $0x2800  }
0xa9: {  	[sflag:s29] =	ssyncset.done $0x0  }
0xaa: {  	[sflag:s29] =	ssyncadd.s32 $0xFFFFD800  }
0xab: {  	[spmem:s3] =	stream.indirect.scatter.add.f32 [tilespmem:s1], [sflag:$0x1], $0x1, s5, s10, $0xb8;
	[tilespmem:$0x1ED80] =	vst v63  }
0xac: {  	_ =	swait.ge [sflag:s29], $0x50  }
0xad: {  	[sflag:s29] =	ssyncset.done $0x0  }
0xae: {  	[sflag:s29] =	ssyncadd.s32 $0xFFFFFFB0  }
0xaf: {  	[bflag:$0x0] =	sbarrier.arrive $0xFFFF  }
0xb0: {  	[tilespmem:s28], [sflag:$0x1] =	stream.linear.gather [spmem:s14], $0x2800, $0x38;
	[tilespmem:$0x1ED80] =	vst v63  }
0xb1: {  	_ =	swait.ge [sflag:s29], $0x2800  }
0xb2: {  	[sflag:s29] =	ssyncset.done $0x0  }
0xb3: {  	s7 =	rddreg [dreg:$0x5];
	[sflag:s29] =	ssyncadd.s32 $0xFFFFD800  }
0xb4: {  	[hbm4b:s7+s4] =	stream.linear.scatter [tilespmem:s28], [sflag:$0x1], $0x2800, $0x38;
	[tilespmem:$0x1ED80] =	vst v63  }
0xb5: {  	_ =	swait.ge [sflag:s29], $0x2800  }
0xb6: {  	[sflag:s29] =	ssyncset.done $0x0  }
0xb7: {  	[sflag:s29] =	ssyncadd.s32 $0xFFFFD800  }
0xb8: {  	[tilespmem:s28], [sflag:$0x1] =	stream.linear.gather [spmem:s15], $0x2800, $0x38;
	[tilespmem:$0x1ED80] =	vst v63  }
0xb9: {  	_ =	swait.ge [sflag:s29], $0x2800  }
0xba: {  	[sflag:s29] =	ssyncset.done $0x0  }
0xbb: {  	s8 =	rddreg [dreg:$0x6];
	[sflag:s29] =	ssyncadd.s32 $0xFFFFD800  }
0xbc: {  	[hbm4b:s8+s4] =	stream.linear.scatter [tilespmem:s28], [sflag:$0x1], $0x2800, $0x38;
	[tilespmem:$0x1ED80] =	vst v63  }
0xbd: {  	_ =	swait.ge [sflag:s29], $0x2800  }
0xbe: {  	[sflag:s29] =	ssyncset.done $0x0  }
0xbf: {  	[sflag:s29] =	ssyncadd.s32 $0xFFFFD800  }
0xc0: {  	[tilespmem:s28], [sflag:$0x1] =	stream.linear.gather [spmem:s16], $0x2800, $0x38;
	[tilespmem:$0x1ED80] =	vst v63  }
0xc1: {  	_ =	swait.ge [sflag:s29], $0x2800  }
0xc2: {  	[sflag:s29] =	ssyncset.done $0x0  }
0xc3: {  	s6 =	rddreg [dreg:$0x7];
	[sflag:s29] =	ssyncadd.s32 $0xFFFFD800  }
0xc4: {  	[hbm4b:s6+s4] =	stream.linear.scatter [tilespmem:s28], [sflag:$0x1], $0x2800, $0x38;
	[tilespmem:$0x1ED80] =	vst v63  }
0xc5: {  	_ =	swait.ge [sflag:s29], $0x2800  }
0xc6: {  	[sflag:s29] =	ssyncset.done $0x0  }
0xc7: {  	[sflag:s29] =	ssyncadd.s32 $0xFFFFD800  }
0xc8: {  	[tilespmem:s28], [sflag:$0x1] =	stream.linear.gather [spmem:s17], $0x2800, $0x38;
	[tilespmem:$0x1ED80] =	vst v63  }
0xc9: {  	_ =	swait.ge [sflag:s29], $0x2800  }
0xca: {  	[sflag:s29] =	ssyncset.done $0x0  }
0xcb: {  	s7 =	rddreg [dreg:$0x8];
	[sflag:s29] =	ssyncadd.s32 $0xFFFFD800  }
0xcc: {  	[hbm4b:s7+s4] =	stream.linear.scatter [tilespmem:s28], [sflag:$0x1], $0x2800, $0x38;
	[tilespmem:$0x1ED80] =	vst v63  }
0xcd: {  	_ =	swait.ge [sflag:s29], $0x2800  }
0xce: {  	[sflag:s29] =	ssyncset.done $0x0  }
0xcf: {  	[sflag:s29] =	ssyncadd.s32 $0xFFFFD800  }
0xd0: {  	[tilespmem:s28], [sflag:$0x1] =	stream.linear.gather [spmem:s18], $0x2800, $0x38;
	[tilespmem:$0x1ED80] =	vst v63  }
0xd1: {  	_ =	swait.ge [sflag:s29], $0x2800  }
0xd2: {  	[sflag:s29] =	ssyncset.done $0x0  }
0xd3: {  	[sflag:s29] =	ssyncadd.s32 $0xFFFFD800  }
0xd4: {  	[hbm4b:s9+s4] =	stream.linear.scatter [tilespmem:s28], [sflag:$0x1], $0x2800, $0x38;
	[tilespmem:$0x1ED80] =	vst v63  }
0xd5: {  	_ =	swait.ge [sflag:s29], $0x2800  }
0xd6: {  	[sflag:s29] =	ssyncset.done $0x0  }
0xd7: {  	[sflag:s29] =	ssyncadd.s32 $0xFFFFD800  }
0xd8: {  	[tilespmem:s28], [sflag:$0x1] =	stream.linear.gather [spmem:s19], $0x2800, $0x38;
	[tilespmem:$0x1ED80] =	vst v63  }
0xd9: {  	_ =	swait.ge [sflag:s29], $0x2800  }
0xda: {  	[sflag:s29] =	ssyncset.done $0x0  }
0xdb: {  	[sflag:s29] =	ssyncadd.s32 $0xFFFFD800  }
0xdc: {  	[hbm4b:s11+s4] =	stream.linear.scatter [tilespmem:s28], [sflag:$0x1], $0x2800, $0x38;
	[tilespmem:$0x1ED80] =	vst v63  }
0xdd: {  	_ =	swait.ge [sflag:s29], $0x2800  }
0xde: {  	[sflag:s29] =	ssyncset.done $0x0  }
0xdf: {  	[sflag:s29] =	ssyncadd.s32 $0xFFFFD800  }
0xe0: {  	[tilespmem:s28], [sflag:$0x1] =	stream.linear.gather [spmem:s20], $0x2800, $0x38;
	[tilespmem:$0x1ED80] =	vst v63  }
0xe1: {  	_ =	swait.ge [sflag:s29], $0x2800  }
0xe2: {  	[sflag:s29] =	ssyncset.done $0x0  }
0xe3: {  	[sflag:s29] =	ssyncadd.s32 $0xFFFFD800  }
0xe4: {  	[hbm4b:s12+s4] =	stream.linear.scatter [tilespmem:s28], [sflag:$0x1], $0x2800, $0x38;
	[tilespmem:$0x1ED80] =	vst v63  }
0xe5: {  	_ =	swait.ge [sflag:s29], $0x2800  }
0xe6: {  	[sflag:s29] =	ssyncset.done $0x0  }
0xe7: {  	[sflag:s29] =	ssyncadd.s32 $0xFFFFD800  }
0xe8: {  	[tilespmem:s28], [sflag:$0x1] =	stream.linear.gather [spmem:s21], $0x2800, $0x38;
	[tilespmem:$0x1ED80] =	vst v63  }
0xe9: {  	_ =	swait.ge [sflag:s29], $0x2800  }
0xea: {  	[sflag:s29] =	ssyncset.done $0x0  }
0xeb: {  	[sflag:s29] =	ssyncadd.s32 $0xFFFFD800  }
0xec: {  	[hbm4b:s13+s4] =	stream.linear.scatter [tilespmem:s28], [sflag:$0x1], $0x2800, $0x38;
	[tilespmem:$0x1ED80] =	vst v63  }
0xed: {  	_ =	swait.ge [sflag:s29], $0x2800  }
0xee: {  	[sflag:s29] =	ssyncset.done $0x0  }
0xef: {  	[sflag:s29] =	ssyncadd.s32 $0xFFFFD800  }
0xf0: {  	[tilespmem:s30], [sflag:$0x1] =	stream.linear.gather [spmem:s22], $0x280, $0x38;
	[tilespmem:$0x1ED80] =	vst v63  }
0xf1: {  	s31 =	sadd.s32 $0x1, s31;
	_ =	swait.ge [sflag:s29], $0x280  }
0xf2: {  	p0 =	sne.s32 s31, s26;
	s8 =	simm.s32 $0x80;
	[sflag:s29] =	ssyncset.done $0x0  }
.Ltmp2:
0xf3: {  	s6 =	simm.s32 $0x100;
	[sflag:s29] =	ssyncadd.s32 $0xFFFFFD80;
	(pc) =	sbr.rel @p0 .LBB2_1-.Ltmp2, $4  }
0xf4: {  	[hbm4b:s25+s8] =	stream.strided.scatter [tilespmem:s30], [sflag:$0x1], $0x280, s6, s8, $0x38;
	[tilespmem:$0x1ED80] =	vst v63  }
0xf5: {  	_ =	swait.ge [sflag:s29], $0x280  }
0xf6: {  	[sflag:s29] =	ssyncset.done $0x0  }
0xf7: {  	[sflag:s29] =	ssyncadd.s32 $0xFFFFFD80  }
0xf8: {  	_ =	sfence.sel $0x180000  }
0xf9: {  	[bflag:$0x0] =	sbarrier.arrive $0xFFFF  }
0xfa: {  	_ =	strace $0x90000047  }
0xfb: {  	s0 =	stileid.u32;
	[bflag:$0x2] =	sbarrier.arrive $0xFFFF  }
0xfc: {  	p0 =	sne.s32 s0, $0x0;
	s0 =	rddreg [dreg:$0x4]  }
0xfd: {  	s0 =	sadd.s32 @!p0 $0x100000, s0  }
0xfe: {  	[sflag:s0] =	ssyncadd.tile.s32 @!p0 $0x1;
	_ =	shalt  }
.Lfunc_end2:
_tile_overlayer_lowered:
.L_overlay_start_2:
0xff: {  	(tag) =	ssettag $0x2  }
0x100: {  	s0 =	rddreg [dreg:$0x0];
	s2 =	stileid.u32  }
0x101: {  	s1 =	rddreg [dreg:$0x1];
	p0 =	sne.s32 s2, $0x0  }
0x102: {  	s3 =	rddreg [dreg:$0x2];
	[bflag:$0x3] =	sbarrier.arrive $0xFFFF;
	s2 =	simm.s32 @!p0 $0x1C01  }
0x103: {  	[timem:s3], [sflag:s2] =	dma.local @!p0 [hbm:s0], s1  }
0x104: {  	s0 =	simm.s32 @!p0 $0x1  }
0x105: {  	_ =	swait.ge @!p0 [sflag:s0], s1  }
0x106: {  	s1 =	ssub.s32 @!p0 $0x0, s1;
	[sflag:s0] =	ssyncset.done @!p0 $0x0  }
0x107: {  	[sflag:s0] =	ssyncadd.s32 @!p0 s1  }
0x108: {  	[bflag:$0x3] =	sbarrier.arrive $0xFFFF  }
0x109: {  	_ =	shalt  }

// kernel: kernel.9.cloned.1.call-start
scs
__scs_entry_jumppad:
0x0: {  	(pc) =	sbr.rel $0x88, $3  }
0x1: {  	(tag) =	ssettag $0x0;
	lr =	simm.s32 $0x1  }
0x2: {  	[smem:$0x3F9E] =	sst lr;
	_ =	strace $0xD0000000  }
0x3: {  	_ = 	snop  }
0x4: {  	_ = 	snop  }
0x5: {  	_ = 	snop  }
0x6: {  	_ = 	snop  }
0x7: {  	_ = 	snop  }
__scs_overlays_trampoline_lowered:
0x8: {  	[smem:$0x3FAD] =	sst s0  }
0x9: {  	[smem:$0x3FAE] =	sst s1  }
0xa: {  	[smem:$0x3FAF] =	sst s2  }
0xb: {  	[smem:$0x3FB0] =	sst s3  }
0xc: {  	[smem:$0x3FB1] =	sst s4  }
0xd: {  	[smem:$0x3FB2] =	sst s5  }
0xe: {  	[smem:$0x3FB3] =	sst s6  }
0xf: {  	[smem:$0x3FB4] =	sst s7  }
0x10: {  	[smem:$0x3FB5] =	sst s8  }
0x11: {  	[smem:$0x3FB6] =	sst s9;
	s0 =	simm.s32 @!p0 $0x0  }
0x12: {  	s1 =	sld [smem:$0x3F9C];
	s0 =	simm.s32 @p0 $0x1  }
0x13: {  	[smem:$0x3FB7] =	sst s0;
	s0 =	simm.s32 @!p1 $0x0  }
0x14: {  	s2 =	sld [smem:$0x3F9B];
	s0 =	simm.s32 @p1 $0x1  }
0x15: {  	[smem:$0x3FB8] =	sst s0;
	s0 =	simm.s32 @!p2 $0x0  }
0x16: {  	s3 =	sld [smem:$0x3FDB];
	s0 =	simm.s32 @p2 $0x1  }
0x17: {  	s4 =	simm.s32 $0x1BF5;
	[smem:$0x3FBA] =	sst s0  }
0x18: {  	s0 =	sld [smem:$0x3F9D];
	_ =	swait.ge [sflag:s4], $0x0  }
0x19: {  	s7 =	sld [smem:$0x3F9E]  }
0x1a: {  	s8 =	sadd.s32 $0xFFFFE003, lr  }
0x1b: {  	s9 =	sadd.s32 $0xFFFFFEF7, lr;
	s5 =	simm.s32 $0xFFFFFFFF;
	p2 =	slt.u32 s8, $0xFFFFF086  }
0x1c: {  	p1 =	slt.u32 s9, $0xF7A;
	s5 =	simm.s32 @!p2 $0x0  }
0x1d: {  	s5 =	simm.s32 @p1 $0x1;
	p0 =	seq.s32 s7, s2  }
0x1e: {  	s7 =	smul.u32 @!p0 $0xF7A, s2;
	p2 =	seq.s32 @!p0 s5, $0x0  }
0x1f: {  	s9 =	smul.u32 $0xF7A, s1;
	s8 =	simm.s32 @!p0 $0x1BF5;
	p2 =	por !p2, p0  }
0x20: {  	[sflag:s8] =	ssyncset.s32 @!p0 $0xFFFFF086;
	s6 =	sadd.s32 @!p0 s3, s7;
	s7 =	simm.s32 @!p0 $0x108  }
0x21: {  	s3 =	sadd.s32 s3, s9;
	s6 =	sadd.s32 @!p0 $0x88, s6;
	s7 =	simm.s32 @p2 $0x1082  }
0x22: {  	[simem:s7], [sflag:s8] =	dma.local @!p0 [hbm:s6], $0xF7A  }
0x23: {  	s9 =	sor.u32 $0xD0000000, s2;
	s6 =	simm.s32 $0x108;
	_ =	swait.ge @!p0 [sflag:s8], $0x0  }
0x24: {  	s3 =	sadd.s32 $0x88, s3;
	s6 =	simm.s32 @!p1 $0x1082;
	[sflag:s4] =	ssyncset.s32 $0xFFFFF086  }
0x25: {  	[simem:s6], [sflag:s4] =	dma.local [hbm:s3], $0xF7A  }
0x26: {  	[smem:$0x3F9E] =	sst s1;
	(tag) =	ssettag s2;
	_ =	strace s9  }
0x27: {  	s1 =	sld [smem:$0x3FAE]  }
0x28: {  	s2 =	sld [smem:$0x3FAF]  }
0x29: {  	s4 =	sld [smem:$0x3FB1]  }
0x2a: {  	p0 =	seq.s32 s5, $0x0;
	s5 =	sld [smem:$0x3FB2]  }
0x2b: {  	s6 =	sld [smem:$0x3FB3]  }
0x2c: {  	s7 =	sld [smem:$0x3FB4]  }
0x2d: {  	s3 =	simm.s32 $0x108;
	s8 =	sld [smem:$0x3FB5]  }
0x2e: {  	s3 =	simm.s32 @!p0 $0x1082;
	s9 =	sld [smem:$0x3FB6]  }
0x2f: {  	lr =	sadd.s32 s0, s3;
	s0 =	sld [smem:$0x3FAD]  }
0x30: {  	s3 =	sld [smem:$0x3FB0]  }
0x31: {  	[smem:$0x3FB9] =	sst s10  }
0x32: {  	s10 =	sld [smem:$0x3FB7];
	_ =	sdelay $0x3  }
0x33: {  	p0 =	seq.s32 s10, $0x1;
	s10 =	sld [smem:$0x3FB9];
	_ =	sdelay $0x3  }
0x34: {  	[smem:$0x3FB9] =	sst s10  }
0x35: {  	s10 =	sld [smem:$0x3FB8];
	_ =	sdelay $0x3  }
0x36: {  	p1 =	seq.s32 s10, $0x1;
	s10 =	sld [smem:$0x3FB9];
	_ =	sdelay $0x3  }
0x37: {  	[smem:$0x3FB9] =	sst s10  }
0x38: {  	s10 =	sld [smem:$0x3FBA]  }
0x39: {  	_ = 	snop;
	(pc) =	sbr.ind lr, $3  }
0x3a: {  	_ = 	snop  }
0x3b: {  	_ = 	snop  }
0x3c: {  	p2 =	seq.s32 s10, $0x1;
	s10 =	sld [smem:$0x3FB9]  }
0x3d: {  	_ =	shalt  }
0x3e: {  	_ =	shalt  }
0x3f: {  	_ =	shalt  }
0x40: {  	_ =	shalt  }
0x41: {  	_ =	shalt  }
0x42: {  	_ =	shalt  }
0x43: {  	_ =	shalt  }
0x44: {  	_ =	shalt  }
0x45: {  	_ =	shalt  }
0x46: {  	_ =	shalt  }
0x47: {  	_ =	shalt  }
0x48: {  	_ =	shalt  }
0x49: {  	_ =	shalt  }
0x4a: {  	_ =	shalt  }
0x4b: {  	_ =	shalt  }
0x4c: {  	_ =	shalt  }
0x4d: {  	_ =	shalt  }
0x4e: {  	_ =	shalt  }
0x4f: {  	_ =	shalt  }
0x50: {  	_ =	shalt  }
0x51: {  	_ =	shalt  }
0x52: {  	_ =	shalt  }
0x53: {  	_ =	shalt  }
0x54: {  	_ =	shalt  }
0x55: {  	_ =	shalt  }
0x56: {  	_ =	shalt  }
0x57: {  	_ =	shalt  }
0x58: {  	_ =	shalt  }
0x59: {  	_ =	shalt  }
0x5a: {  	_ =	shalt  }
0x5b: {  	_ =	shalt  }
0x5c: {  	_ =	shalt  }
0x5d: {  	_ =	shalt  }
0x5e: {  	_ =	shalt  }
0x5f: {  	_ =	shalt  }
0x60: {  	_ =	shalt  }
0x61: {  	_ =	shalt  }
0x62: {  	_ =	shalt  }
0x63: {  	_ =	shalt  }
0x64: {  	_ =	shalt  }
0x65: {  	_ =	shalt  }
0x66: {  	_ =	shalt  }
0x67: {  	_ =	shalt  }
0x68: {  	_ =	shalt  }
0x69: {  	_ =	shalt  }
0x6a: {  	_ =	shalt  }
0x6b: {  	_ =	shalt  }
0x6c: {  	_ =	shalt  }
0x6d: {  	_ =	shalt  }
0x6e: {  	_ =	shalt  }
0x6f: {  	_ =	shalt  }
0x70: {  	_ =	shalt  }
0x71: {  	_ =	shalt  }
0x72: {  	_ =	shalt  }
0x73: {  	_ =	shalt  }
0x74: {  	_ =	shalt  }
0x75: {  	_ =	shalt  }
0x76: {  	_ =	shalt  }
0x77: {  	_ =	shalt  }
0x78: {  	_ =	shalt  }
0x79: {  	_ =	shalt  }
0x7a: {  	_ =	shalt  }
0x7b: {  	_ =	shalt  }
0x7c: {  	_ =	shalt  }
0x7d: {  	_ =	shalt  }
0x7e: {  	_ =	shalt  }
0x7f: {  	_ =	shalt  }
0x80: {  	_ =	shalt  }
0x81: {  	_ =	shalt  }
0x82: {  	_ =	shalt  }
0x83: {  	_ =	shalt  }
0x84: {  	_ =	shalt  }
0x85: {  	_ =	shalt  }
0x86: {  	_ =	shalt  }
0x87: {  	_ =	shalt  }
.Lfunc_end0:
.L_simem_size_0:
called_computation.1_lowered:
.L_overlay_start_0:
0x88: {  	s2 =	sld [smem:$0x3FD9]  }
0x89: {  	s3 =	sld [smem:$0x3FFE];
	_ =	sdelay $0x1  }
0x8a: {  	s1 =	srdreg.scid  }
0x8b: {  	s0 =	sand.u32 $0x1, s1  }
0x8c: {  	s16 =	sshll.u32 s0, $0xA;
	s2 =	sadd.s32 s3, s2  }
0x8d: {  	s2 =	sadd.s32 s2, s16  }
0x8e: {  	[smem:$0x3FC5] =	sst s2  }
0x8f: {  	_ = 	snop  }
0x90: {  	(tm) =	ssettm $0x1  }
0x91: {  	s17 =	sld [smem:$0x3FFB];
	_ =	sdelay $0x3  }
0x92: {  	_ =	strace s17  }
0x93: {  	s2 =	sld [smem:$0x3FFC];
	_ =	sdelay $0x3  }
0x94: {  	_ =	strace s2  }
0x95: {  	s2 =	sld [smem:$0x3FFD];
	_ =	sdelay $0x3  }
0x96: {  	_ =	strace s2  }
0x97: {  	_ =	strace $0x8FFFFFFF  }
0x98: {  	s18 =	sld [smem:$0x3FDB];
	_ =	sdelay $0x1  }
0x99: {  	s19 =	simm.s32 $_scs_section_size  }
0x9a: {  	s4 =	simm.s32 $_size__tile_overlayer_lowered;
	s5 =	simm.s32 $_tile_overlayer_lowered  }
0x9b: {  	s22 =	simm.s32 $0x1BFF;
	s21 =	sshll.u32 s5, $0x1;
	s2 =	sadd.s32 s19, s18  }
0x9c: {  	s6 =	simm.s32 $0x0;
	s20 =	sshll.u32 s4, $0x1;
	s4 =	sadd.s32 s21, s2  }
0x9d: {  	[timem:s6], [sflag:s22] =	dma.local [hbm:s4], s20  }
0x9e: {  	_ =	swait.ge [sflag:s22], s20  }
0x9f: {  	s3 =	ssub.s32 $0x0, s20;
	[sflag:s22] =	ssyncset.done $0x0  }
0xa0: {  	[sflag:s22] =	ssyncadd.s32 s3;
	_ =	sdelay $0x1  }
0xa1: {  	s23 =	simm.s32 $0x1B8B  }
0xa2: {  	_ =	swait.ge [sflag:s23], $0x1  }
0xa3: {  	[sflag:s23] =	ssyncset.done $0x0  }
0xa4: {  	s25 =	simm.s32 $0x1B8E;
	s24 =	sld [smem:$0x3FFE];
	[sflag:s23] =	ssyncadd.s32 $0xFFFFFFFF  }
0xa5: {  	s26 =	simm.s32 $execute0_lowered;
	[smem:$0x3FD2] =	sst s25  }
0xa6: {  	s4 =	sshll.u32 s26, $0x1;
	_ =	strace $0x80000049;
	[dreg:$0x1] =	wrdreg $0xFFFFFFFF  }
0xa7: {  	s28 =	simm.s32 $_size_execute0_lowered;
	s2 =	sadd.s32 s2, s4;
	[dreg:$0x0] =	wrdreg $0x0  }
0xa8: {  	s4 =	sshll.u32 s28, $0x1;
	[dreg:$0x2] =	wrdreg s2  }
0xa9: {  	[dreg:$0x3] =	wrdreg s4  }
0xaa: {  	[dreg:$0x4] =	wrdreg $0xC0  }
0xab: {  	_ =	task [dreg:s6], $0x5FFFF  }
0xac: {  	[dreg:$0x1] =	wrdreg $0xFFFFFFFF  }
0xad: {  	[dreg:$0x0] =	wrdreg $0x60  }
0xae: {  	[dreg:$0x2] =	wrdreg s24  }
0xaf: {  	[dreg:$0x3] =	wrdreg $0x9  }
0xb0: {  	_ =	task.clear_ibuf [dreg:s6], $0x4FFFF;
	_ =	strace $0x90000049  }
0xb1: {  	s29 =	simm.s32 $0x9;
	_ =	strace $0x8000004B  }
0xb2: {  	_ =	swait.ge [sflag:s29], $0x1  }
0xb3: {  	[sflag:s29] =	ssyncadd.s32 $0xFFFFFFFF  }
0xb4: {  	_ =	strace $0x9000004B  }
0xb5: {  	_ =	sfence  }
0xb6: {  	s30 =	sld [smem:$0x0];
	_ =	sdelay $0x2  }
0xb7: {  	s31 =	sshll.u32 s1, $0xD;
	s1 =	sshrl.u32 s1, $0x2  }
0xb8: {  	s3 =	sand.u32 $0x4000, s31;
	s1 =	sadd.s32 s1, s30  }
0xb9: {  	s0 =	sor.u32 s3, s0;
	s1 =	sshll.u32 s1, $0x11  }
0xba: {  	s0 =	sor.u32 s1, s0  }
0xbb: {  	s0 =	sadd.s32 $0x8F2B, s0  }
0xbc: {  	[sflag:s0] =	ssyncadd.remote.s32 $0x1  }
0xbd: {  	_ =	sfence.sel $0xFFFF  }
0xbe: {  	[dreg:$0x0] =	wrdreg $0xFFFFFFFF;
	(pc) =	sbr.abs _section_cstart, $3  }
0xbf: {  	[dreg:$0x1] =	wrdreg $0xFFFFFFFF  }
0xc0: {  	_ =	task.clear_ibuf [dreg:s6], $0x2FFFF;
	_ =	strace $0x9FFFFFFF  }
0xc1: {  	(tm) =	ssettm $0x7FFFFFFF  }
tec
execute0_lowered:
.L_overlay_start_1:
0x0: {  	(tag) =	ssettag $0x1  }
0x1: {  	s4 =	rddreg [dreg:$0x0]  }
0x2: {  	s1 =	srdreg.scid;
	s0 =	rddreg [dreg:$0x1]  }
0x3: {  	s2 =	simm.s32 $0x0;
	s9 =	simm.s32 $0x4000;
	s10 =	simm.s32 $0x8000  }
0x4: {  	s11 =	simm.s32 $0xA780;
	s12 =	simm.s32 $0x0;
	s3 =	sand.u32 $0x1, s1  }
0x5: {  	s1 =	stileid.u32;
	[smem:$0x7FF] =	sst s2;
	s5 =	sshll.u32 s3, $0x4  }
0x6: {  	_ =	strace $0x8000004A;
	s7 =	ssub.s32 $0x2, s3;
	s5 =	sor.u32 s1, s5  }
0x7: {  	s3 =	sadd.s32 $0x20800, s4;
	s8 =	sshrl.u32 s7, $0x1;
	s6 =	smul.u32 $0x500, s5  }
0x8: {  	s5 =	sshll.u32 s5, $0xB;
	s7 =	ssub.s32 s7, s8;
	s8 =	simm.s32 $0x1  }
0x9: {  	s5 =	sadd.s32 s5, s4;
	s7 =	smax.u32 s7, $0x1;
	s6 =	sadd.s32 s6, s4  }
0xa: {  	v0 =	vimm.f32 $0.0e+00;
	s4 =	sadd.s32 $0x800, s5;
	s5 =	sadd.s32 $0x10800, s5;
	s6 =	sadd.s32 $0x20E00, s6  }
.LBB2_1:
0xb: {  	s13 =	simm.s32 $0x40;
	s14 =	simm.s32 $0x0  }
.LBB2_2:
0xc: {  	p0 =	sne.s32 s13, $0x9FC0;
	[tilespmem:s14+$0xA780] =	vst v0;
	s14 =	smov.u32 s13;
	s13 =	sadd.s32 $0x40, s13  }
.Ltmp0:
0xd: {  	(pc) =	sbr.rel @p0 .LBB2_2-.Ltmp0, $2  }
0xe: {  	_ =	sdelay $0x2  }
0xf: {  	s14 =	sshra.s32 s14, $0x2  }
0x10: {  	[tilespmem:s14+$0xA780] =	vst v0;
	s13 =	simm.s32 $0x0  }
0x11: {  	[tilespmem:s13], [sflag:$0x1] =	stream.linear.gather [hbm4b:s4+s13], $0x3E80, $0x38;
	[tilespmem:$0xCF80] =	vst v63  }
0x12: {  	_ =	swait.ge [sflag:s8], $0x3E80  }
0x13: {  	[sflag:s8] =	ssyncset.done $0x0  }
0x14: {  	[sflag:s8] =	ssyncadd.s32 $0xFFFFC180  }
0x15: {  	[tilespmem:s9], [sflag:$0x1] =	stream.linear.gather [hbm4b:s5+s13], $0x3E80, $0x38;
	[tilespmem:$0xCF80] =	vst v63  }
0x16: {  	_ =	swait.ge [sflag:s8], $0x3E80  }
0x17: {  	[sflag:s8] =	ssyncset.done $0x0  }
0x18: {  	[sflag:s8] =	ssyncadd.s32 $0xFFFFC180  }
0x19: {  	[tilespmem:s10], [sflag:$0x1] =	stream.linear.gather [hbm4b:s3+s13], $0x2780, $0x38;
	[tilespmem:$0xCF80] =	vst v63  }
0x1a: {  	_ =	swait.ge [sflag:s8], $0x2780  }
0x1b: {  	[sflag:s8] =	ssyncset.done $0x0  }
0x1c: {  	[sflag:s8] =	ssyncadd.s32 $0xFFFFD880  }
.LBB2_4:
0x1d: {  	s14 =	sshra.s32 s13, $0x2  }
0x1e: {  	v1 =	vld [tilespmem:s14+$0x0];
	_ =	sdelay $0x4  }
0x1f: {  	v2 =	vld [tilespmem:s14+$0x4000];
	_ =	sdelay $0x2  }
0x20: {  	v1 =	vld.idx.msk [tilespmem:v1+s10+$0x0], $0xffff;
	_ =	sdelay $0x4  }
0x21: {  	[tilespmem:v2+s11+$0x0] =	vst.idx.add.f32.msk $0xffff, v1  }
0x22: {  	v1 =	vld [tilespmem:s14+$0x10];
	_ =	sdelay $0x4  }
0x23: {  	v2 =	vld [tilespmem:s14+$0x4010];
	_ =	sdelay $0x2  }
0x24: {  	v1 =	vld.idx.msk [tilespmem:v1+s10+$0x0], $0xffff;
	_ =	sdelay $0x4  }
0x25: {  	[tilespmem:v2+s11+$0x0] =	vst.idx.add.f32.msk $0xffff, v1  }
0x26: {  	v1 =	vld [tilespmem:s14+$0x20];
	_ =	sdelay $0x4  }
0x27: {  	v2 =	vld [tilespmem:s14+$0x4020];
	_ =	sdelay $0x2  }
0x28: {  	v1 =	vld.idx.msk [tilespmem:v1+s10+$0x0], $0xffff;
	_ =	sdelay $0x4  }
0x29: {  	[tilespmem:v2+s11+$0x0] =	vst.idx.add.f32.msk $0xffff, v1  }
0x2a: {  	v1 =	vld [tilespmem:s14+$0x30];
	_ =	sdelay $0x4  }
0x2b: {  	v2 =	vld [tilespmem:s14+$0x4030];
	_ =	sdelay $0x2  }
0x2c: {  	v1 =	vld.idx.msk [tilespmem:v1+s10+$0x0], $0xffff;
	_ =	sdelay $0x4  }
0x2d: {  	[tilespmem:v2+s11+$0x0] =	vst.idx.add.f32.msk $0xffff, v1  }
0x2e: {  	v1 =	vld [tilespmem:s14+$0x40];
	_ =	sdelay $0x4  }
0x2f: {  	v2 =	vld [tilespmem:s14+$0x4040];
	_ =	sdelay $0x2  }
0x30: {  	p0 =	sne.s32 s13, $0xF800;
	v1 =	vld.idx.msk [tilespmem:v1+s10+$0x0], $0xffff  }
.Ltmp1:
0x31: {  	_ = 	snop;
	(pc) =	sbr.rel @p0 .LBB2_4-.Ltmp1, $2  }
0x32: {  	_ =	sdelay $0x2  }
0x33: {  	s13 =	sadd.s32 $0x200, s13;
	[tilespmem:v2+s11+$0x0] =	vst.idx.add.f32.msk $0xffff, v1  }
0x34: {  	s12 =	sadd.s32 $0x1, s12  }
0x35: {  	p0 =	sne.s32 s12, s7  }
.Ltmp2:
0x36: {  	_ = 	snop;
	(pc) =	sbr.rel @p0 .LBB2_1-.Ltmp2, $4  }
0x37: {  	[hbm4b:s6+s2] =	stream.linear.scatter [tilespmem:s11], [sflag:$0x1], $0x2800, $0x38;
	[tilespmem:$0xCF80] =	vst v63  }
0x38: {  	_ =	swait.ge [sflag:s8], $0x2800  }
0x39: {  	[sflag:s8] =	ssyncset.done $0x0  }
0x3a: {  	[sflag:s8] =	ssyncadd.s32 $0xFFFFD800  }
0x3b: {  	_ =	sfence.sel $0x180000  }
0x3c: {  	[bflag:$0x0] =	sbarrier.arrive $0xFFFF  }
0x3d: {  	p0 =	sne.s32 s1, $0x0;
	_ =	strace $0x9000004A  }
0x3e: {  	s0 =	sadd.s32 @!p0 $0x100000, s0;
	[bflag:$0x2] =	sbarrier.arrive $0xFFFF  }
0x3f: {  	[sflag:s0] =	ssyncadd.tile.s32 @!p0 $0x1;
	_ =	shalt  }
.Lfunc_end2:
_tile_overlayer_lowered:
.L_overlay_start_2:
0x40: {  	(tag) =	ssettag $0x2  }
0x41: {  	s0 =	rddreg [dreg:$0x0];
	s2 =	stileid.u32  }
0x42: {  	s1 =	rddreg [dreg:$0x1];
	p0 =	sne.s32 s2, $0x0  }
0x43: {  	s3 =	rddreg [dreg:$0x2];
	[bflag:$0x3] =	sbarrier.arrive $0xFFFF;
	s2 =	simm.s32 @!p0 $0x1C01  }
0x44: {  	[timem:s3], [sflag:s2] =	dma.local @!p0 [hbm:s0], s1  }
0x45: {  	s0 =	simm.s32 @!p0 $0x1  }
0x46: {  	_ =	swait.ge @!p0 [sflag:s0], s1  }
0x47: {  	s1 =	ssub.s32 @!p0 $0x0, s1;
	[sflag:s0] =	ssyncset.done @!p0 $0x0  }
0x48: {  	[sflag:s0] =	ssyncadd.s32 @!p0 s1  }
0x49: {  	[bflag:$0x3] =	sbarrier.arrive $0xFFFF  }
0x4a: {  	_ =	shalt  }

</sc_bundles>
